<compile_context>
chip_gen: v7x
topology: tpu7x:2x2x1
jax: 0.10.2.dev20260603
libtpu: 0.0.44.dev20260713+nightly
codegen_flags: <defaults>
</compile_context>

<pallas_src>
import functools

import jax
import jax.numpy as jnp
from jax import lax
from jax.experimental import pallas as pl
from jax.experimental.pallas import tpu as pltpu
from jax.experimental.pallas import tpu_sc as plsc

_LANES = 16
_NC = 2
_NS = 16
_UNROLL = 1


def _allsum16(v):
    dnums = lax.GatherDimensionNumbers(
        offset_dims=(), collapsed_slice_dims=(0,), start_index_map=(0,))
    for k in (8, 4, 2, 1):
        idx = lax.iota(jnp.int32, _LANES) ^ k
        v = v + lax.gather(v, idx[:, None], dnums, slice_sizes=(1,),
                           mode=lax.GatherScatterMode.PROMISE_IN_BOUNDS)
    return v


def _rsqrt16(x):
    i = lax.bitcast_convert_type(x, jnp.int32)
    i = jnp.int32(0x5F3759DF) - lax.shift_right_logical(i, 1)
    y = lax.bitcast_convert_type(i, jnp.float32)
    for _ in range(1):
        y = y * (1.5 - 0.5 * x * y * y)
    return y


def kernel(X, E_table, P_table, gamma, beta):
    B, L = X.shape
    V, D = E_table.shape
    nd = D // _LANES
    NW = _NC * _NS
    nb = B // NW
    X = X.astype(jnp.int32)

    chunks = []
    off = 0
    while off < L:
        c = min(128, L - off)
        chunks.append((off, c))
        off += c

    mesh = plsc.VectorSubcoreMesh(
        core_axis_name="c", subcore_axis_name="s",
        num_cores=_NC, num_subcores=_NS)

    @functools.partial(
        pl.kernel,
        mesh=mesh,
        out_type=jax.ShapeDtypeStruct((B, L, D), jnp.float32),
        scratch_types=[
            pltpu.VMEM((nb, L), jnp.int32),
            pltpu.VMEM((L, D), jnp.float32),
            pltpu.VMEM((L, D), jnp.float32),
            pltpu.VMEM((L, D), jnp.float32),
            pltpu.VMEM((D,), jnp.float32),
            pltpu.VMEM((D,), jnp.float32),
            pltpu.SemaphoreType.DMA,
            pltpu.SemaphoreType.DMA,
            pltpu.SemaphoreType.DMA,
            pltpu.SemaphoreType.DMA,
        ],
    )
    def _emb_ln(x_hbm, e_hbm, p_hbm, g_hbm, b_hbm, out_hbm,
                idx_v, rows0, rows1, p_v, g_v, b_v,
                gsem0, gsem1, wsem0, wsem1):
        wid = lax.axis_index("s") * _NC + lax.axis_index("c")
        base = wid * nb

        pltpu.sync_copy(x_hbm.at[pl.ds(base, nb)], idx_v)
        pltpu.sync_copy(p_hbm.at[pl.ds(0, L)], p_v)
        pltpu.sync_copy(g_hbm, g_v)
        pltpu.sync_copy(b_hbm, b_v)

        gv = [g_v[pl.ds(j * _LANES, _LANES)] for j in range(nd)]
        bv = [b_v[pl.ds(j * _LANES, _LANES)] for j in range(nd)]

        rows = (rows0, rows1)
        gsem = (gsem0, gsem1)
        wsem = (wsem0, wsem1)

        def start_gather(i, p):
            for off, c in chunks:
                pltpu.async_copy(e_hbm.at[idx_v.at[i, pl.ds(off, c)]],
                                 rows[p].at[pl.ds(off, c)], gsem[p])

        def wait_gather(p):
            pltpu.make_async_copy(e_hbm.at[pl.ds(0, L)], rows[p],
                                  gsem[p]).wait()

        def start_write(i, p):
            pltpu.async_copy(rows[p], out_hbm.at[base + i], wsem[p])

        def wait_write(p):
            pltpu.make_async_copy(rows[p], out_hbm.at[0], wsem[p]).wait()

        def compute(p):
            rbuf = rows[p]

            @plsc.parallel_loop(0, L, unroll=_UNROLL)
            def row_body(r):
                xs = []
                s = None
                ss = None
                for j in range(nd):
                    e = rbuf[r, pl.ds(j * _LANES, _LANES)]
                    pj = p_v[r, pl.ds(j * _LANES, _LANES)]
                    x = e + pj
                    xs.append(x)
                    s = x if s is None else s + x
                    ss = x * x if ss is None else ss + x * x
                mean = _allsum16(s) * (1.0 / D)
                var = _allsum16(ss) * (1.0 / D) - mean * mean
                rstd = _rsqrt16(var + 1e-12)
                for j in range(nd):
                    o = (xs[j] - mean) * rstd * gv[j] + bv[j]
                    rbuf[r, pl.ds(j * _LANES, _LANES)] = o

        start_gather(0, 0)

        def body(i2, carry):
            for b2 in range(2):
                i = i2 * 2 + b2
                p = b2
                q = 1 - b2

                @pl.when(i >= 1)
                def _():
                    wait_write(q)

                @pl.when(i + 1 < nb)
                def _():
                    start_gather(i + 1, q)

                wait_gather(p)
                compute(p)
                start_write(i, p)
            return carry

        lax.fori_loop(0, nb // 2, body, 0)
        wait_write((nb - 1) % 2)

    return _emb_ln(X, E_table, P_table, gamma, beta)

# --- scband reference (transcript-rebuilt; emitter-appended) ---
"""Pipeline reference for scband-embedding-58145267253331 (READ-ONLY COPY).

The authoritative reference and input builder live on the scoring server;
editing this copy changes nothing except your own understanding.
"""

import jax, jax.numpy as jnp
import numpy as np

VSIZE = 100000
SIZE = 128
MSIZE = 512
B = 1024
L = 200

def setup_inputs(seed: int = 0) -> dict:
    key = jax.random.key(seed)
    k1, k2, k3 = jax.random.split(key, 3)
    X = jax.random.randint(k1, (B, L), 0, VSIZE, dtype=jnp.int64) if jax.config.jax_enable_x64 else jax.random.randint(k1, (B, L), 0, VSIZE, dtype=jnp.int32)
    E_table = jax.random.normal(k2, (VSIZE, SIZE), dtype=jnp.float32) * 0.02
    P_table = jax.random.normal(k3, (MSIZE, SIZE), dtype=jnp.float32) * 0.02
    gamma = jnp.ones((SIZE,), dtype=jnp.float32)
    beta = jnp.zeros((SIZE,), dtype=jnp.float32)
    return {"X": X, "E_table": E_table, "P_table": P_table, "gamma": gamma, "beta": beta}

def _layer_norm(x, gamma, beta):
    u = jnp.mean(x, axis=-1, keepdims=True)
    s = jnp.mean(jnp.square(x - u), axis=-1, keepdims=True)
    o = (x - u) / jnp.sqrt(s + 1e-12)
    return gamma * o + beta

def reference(X, E_table, P_table, gamma, beta):
    Lq = X.shape[1]
    pos = jnp.arange(Lq, dtype=X.dtype)[None, :]
    pos = jnp.broadcast_to(pos, X.shape)
    E = jnp.take(E_table, X, axis=0)
    P = jnp.take(P_table, pos, axis=0)
    O = E + P
    O = _layer_norm(O, gamma, beta)
    # dropout with p=0.0 is identity (eval mode)
    return O

if __name__ == "__main__":
    import jax
    _d = setup_inputs()
    print(jax.jit(kernel)(*tuple(_d.values())))

</pallas_src>

<mosaic_0001>
#map = affine_map<(d0, d1) -> (0, 0)>
#map1 = affine_map<(d0, d1) -> (0)>
#map2 = affine_map<(d0, d1) -> (0, 0, 0)>
module attributes {stable_mosaic.version = 14 : i64} {
  func.func @_emb_ln(%arg0: i32, %arg1: i32, %arg2: memref<1024x200xi32, #tpu.memory_space<hbm>>, %arg3: memref<100000x128xf32, #tpu.memory_space<hbm>>, %arg4: memref<512x128xf32, #tpu.memory_space<hbm>>, %arg5: memref<128xf32, #tpu.memory_space<hbm>>, %arg6: memref<128xf32, #tpu.memory_space<hbm>>, %arg7: memref<1024x200x128xf32, #tpu.memory_space<hbm>>, %arg8: memref<32x200xi32, #tpu.memory_space<vmem>>, %arg9: memref<200x128xf32, #tpu.memory_space<vmem>>, %arg10: memref<200x128xf32, #tpu.memory_space<vmem>>, %arg11: memref<200x128xf32, #tpu.memory_space<vmem>>, %arg12: memref<128xf32, #tpu.memory_space<vmem>>, %arg13: memref<128xf32, #tpu.memory_space<vmem>>, %arg14: memref<!tpu.dma_semaphore, #tpu.memory_space<semaphore_mem>>, %arg15: memref<!tpu.dma_semaphore, #tpu.memory_space<semaphore_mem>>, %arg16: memref<!tpu.dma_semaphore, #tpu.memory_space<semaphore_mem>>, %arg17: memref<!tpu.dma_semaphore, #tpu.memory_space<semaphore_mem>>) attributes {dimension_semantics = [#tpu.dimension_semantics<core_parallel>, #tpu.dimension_semantics<subcore_parallel>], iteration_bounds = array<i64: 2, 16>, scalar_prefetch = 0 : i64, scratch_operands = 10 : i64, tpu.core_type = #tpu.core_type<sc_vector_subcore>, window_params = [{transform_indices = #map}, {transform_indices = #map}, {transform_indices = #map}, {transform_indices = #map1}, {transform_indices = #map1}, {transform_indices = #map2}]} {
    %mul3A = arith.constant 2 : i32
    %mul3A_0 = arith.muli %arg1, %mul3A : i32
    %add3A = arith.addi %mul3A_0, %arg0 : i32
    %mul3A_1 = arith.constant 32 : i32
    %mul3A_2 = arith.muli %add3A, %mul3A_1 : i32
    "tpu.region"() ({
      %run_scoped3A = tpu.sem_alloc : memref<!tpu.dma_semaphore, #tpu.memory_space<semaphore_mem>>
      %dma_start3A_82 = arith.constant 0 : i32
      %dma_start3A_83 = tpu.memref_slice %arg2[%mul3A_2, %dma_start3A_82] : memref<1024x200xi32, #tpu.memory_space<hbm>> -> memref<32x200xi32, #tpu.memory_space<hbm>>
      %dma_start3A_84 = arith.constant 0 : i32
      %dma_start3A_85 = tpu.memref_slice %arg2[%mul3A_2, %dma_start3A_84] : memref<1024x200xi32, #tpu.memory_space<hbm>> -> memref<32x200xi32, #tpu.memory_space<hbm>>
      tpu.enqueue_dma source(%dma_start3A_85 : memref<32x200xi32, #tpu.memory_space<hbm>>) target(%arg8 : memref<32x200xi32, #tpu.memory_space<vmem>>) target_semaphore(%run_scoped3A : memref<!tpu.dma_semaphore, #tpu.memory_space<semaphore_mem>>)
      %dma_wait3A_86 = arith.constant 0 : i32
      %dma_wait3A_87 = tpu.memref_slice %arg2[%mul3A_2, %dma_wait3A_86] : memref<1024x200xi32, #tpu.memory_space<hbm>> -> memref<32x200xi32, #tpu.memory_space<hbm>>
      %dma_wait3A_88 = arith.constant 0 : i32
      %dma_wait3A_89 = tpu.memref_slice %arg2[%mul3A_2, %dma_wait3A_88] : memref<1024x200xi32, #tpu.memory_space<hbm>> -> memref<32x200xi32, #tpu.memory_space<hbm>>
      tpu.wait_dma2 semaphore(%run_scoped3A : memref<!tpu.dma_semaphore, #tpu.memory_space<semaphore_mem>>) src(%dma_wait3A_89 : memref<32x200xi32, #tpu.memory_space<hbm>>) dst(%arg8 : memref<32x200xi32, #tpu.memory_space<vmem>>)
      tpu.yield
    }) : () -> ()
    "tpu.region"() ({
      %run_scoped3A = tpu.sem_alloc : memref<!tpu.dma_semaphore, #tpu.memory_space<semaphore_mem>>
      %dma_start3A_82 = arith.constant 0 : i32
      %dma_start3A_83 = arith.constant 0 : i32
      %dma_start3A_84 = tpu.memref_slice %arg4[%dma_start3A_82, %dma_start3A_83] : memref<512x128xf32, #tpu.memory_space<hbm>> -> memref<200x128xf32, #tpu.memory_space<hbm>>
      %dma_start3A_85 = arith.constant 0 : i32
      %dma_start3A_86 = arith.constant 0 : i32
      %dma_start3A_87 = tpu.memref_slice %arg4[%dma_start3A_85, %dma_start3A_86] : memref<512x128xf32, #tpu.memory_space<hbm>> -> memref<200x128xf32, #tpu.memory_space<hbm>>
      tpu.enqueue_dma source(%dma_start3A_87 : memref<200x128xf32, #tpu.memory_space<hbm>>) target(%arg11 : memref<200x128xf32, #tpu.memory_space<vmem>>) target_semaphore(%run_scoped3A : memref<!tpu.dma_semaphore, #tpu.memory_space<semaphore_mem>>)
      %dma_wait3A_88 = arith.constant 0 : i32
      %dma_wait3A_89 = arith.constant 0 : i32
      %dma_wait3A_90 = tpu.memref_slice %arg4[%dma_wait3A_88, %dma_wait3A_89] : memref<512x128xf32, #tpu.memory_space<hbm>> -> memref<200x128xf32, #tpu.memory_space<hbm>>
      %dma_wait3A_91 = arith.constant 0 : i32
      %dma_wait3A_92 = arith.constant 0 : i32
      %dma_wait3A_93 = tpu.memref_slice %arg4[%dma_wait3A_91, %dma_wait3A_92] : memref<512x128xf32, #tpu.memory_space<hbm>> -> memref<200x128xf32, #tpu.memory_space<hbm>>
      tpu.wait_dma2 semaphore(%run_scoped3A : memref<!tpu.dma_semaphore, #tpu.memory_space<semaphore_mem>>) src(%dma_wait3A_93 : memref<200x128xf32, #tpu.memory_space<hbm>>) dst(%arg11 : memref<200x128xf32, #tpu.memory_space<vmem>>)
      tpu.yield
    }) : () -> ()
    "tpu.region"() ({
      %run_scoped3A = tpu.sem_alloc : memref<!tpu.dma_semaphore, #tpu.memory_space<semaphore_mem>>
      tpu.enqueue_dma source(%arg5 : memref<128xf32, #tpu.memory_space<hbm>>) target(%arg12 : memref<128xf32, #tpu.memory_space<vmem>>) target_semaphore(%run_scoped3A : memref<!tpu.dma_semaphore, #tpu.memory_space<semaphore_mem>>)
      tpu.wait_dma2 semaphore(%run_scoped3A : memref<!tpu.dma_semaphore, #tpu.memory_space<semaphore_mem>>) src(%arg5 : memref<128xf32, #tpu.memory_space<hbm>>) dst(%arg12 : memref<128xf32, #tpu.memory_space<vmem>>)
      tpu.yield
    }) : () -> ()
    "tpu.region"() ({
      %run_scoped3A = tpu.sem_alloc : memref<!tpu.dma_semaphore, #tpu.memory_space<semaphore_mem>>
      tpu.enqueue_dma source(%arg6 : memref<128xf32, #tpu.memory_space<hbm>>) target(%arg13 : memref<128xf32, #tpu.memory_space<vmem>>) target_semaphore(%run_scoped3A : memref<!tpu.dma_semaphore, #tpu.memory_space<semaphore_mem>>)
      tpu.wait_dma2 semaphore(%run_scoped3A : memref<!tpu.dma_semaphore, #tpu.memory_space<semaphore_mem>>) src(%arg6 : memref<128xf32, #tpu.memory_space<hbm>>) dst(%arg13 : memref<128xf32, #tpu.memory_space<vmem>>)
      tpu.yield
    }) : () -> ()
    %get3A = arith.constant 0 : index
    %get3A_3 = tpu.vector_load %arg12[%get3A] {strides = array<i32>} : memref<128xf32, #tpu.memory_space<vmem>>, vector<16xf32>,
    %get3A_4 = vector.shape_cast %get3A_3 : vector<16xf32> to vector<16xf32>
    %get3A_5 = arith.constant 16 : index
    %get3A_6 = tpu.vector_load %arg12[%get3A_5] {strides = array<i32>} : memref<128xf32, #tpu.memory_space<vmem>>, vector<16xf32>,
    %get3A_7 = vector.shape_cast %get3A_6 : vector<16xf32> to vector<16xf32>
    %get3A_8 = arith.constant 32 : index
    %get3A_9 = tpu.vector_load %arg12[%get3A_8] {strides = array<i32>} : memref<128xf32, #tpu.memory_space<vmem>>, vector<16xf32>,
    %get3A_10 = vector.shape_cast %get3A_9 : vector<16xf32> to vector<16xf32>
    %get3A_11 = arith.constant 48 : index
    %get3A_12 = tpu.vector_load %arg12[%get3A_11] {strides = array<i32>} : memref<128xf32, #tpu.memory_space<vmem>>, vector<16xf32>,
    %get3A_13 = vector.shape_cast %get3A_12 : vector<16xf32> to vector<16xf32>
    %get3A_14 = arith.constant 64 : index
    %get3A_15 = tpu.vector_load %arg12[%get3A_14] {strides = array<i32>} : memref<128xf32, #tpu.memory_space<vmem>>, vector<16xf32>,
    %get3A_16 = vector.shape_cast %get3A_15 : vector<16xf32> to vector<16xf32>
    %get3A_17 = arith.constant 80 : index
    %get3A_18 = tpu.vector_load %arg12[%get3A_17] {strides = array<i32>} : memref<128xf32, #tpu.memory_space<vmem>>, vector<16xf32>,
    %get3A_19 = vector.shape_cast %get3A_18 : vector<16xf32> to vector<16xf32>
    %get3A_20 = arith.constant 96 : index
    %get3A_21 = tpu.vector_load %arg12[%get3A_20] {strides = array<i32>} : memref<128xf32, #tpu.memory_space<vmem>>, vector<16xf32>,
    %get3A_22 = vector.shape_cast %get3A_21 : vector<16xf32> to vector<16xf32>
    %get3A_23 = arith.constant 112 : index
    %get3A_24 = tpu.vector_load %arg12[%get3A_23] {strides = array<i32>} : memref<128xf32, #tpu.memory_space<vmem>>, vector<16xf32>,
    %get3A_25 = vector.shape_cast %get3A_24 : vector<16xf32> to vector<16xf32>
    %get3A_26 = arith.constant 0 : index
    %get3A_27 = tpu.vector_load %arg13[%get3A_26] {strides = array<i32>} : memref<128xf32, #tpu.memory_space<vmem>>, vector<16xf32>,
    %get3A_28 = vector.shape_cast %get3A_27 : vector<16xf32> to vector<16xf32>
    %get3A_29 = arith.constant 16 : index
    %get3A_30 = tpu.vector_load %arg13[%get3A_29] {strides = array<i32>} : memref<128xf32, #tpu.memory_space<vmem>>, vector<16xf32>,
    %get3A_31 = vector.shape_cast %get3A_30 : vector<16xf32> to vector<16xf32>
    %get3A_32 = arith.constant 32 : index
    %get3A_33 = tpu.vector_load %arg13[%get3A_32] {strides = array<i32>} : memref<128xf32, #tpu.memory_space<vmem>>, vector<16xf32>,
    %get3A_34 = vector.shape_cast %get3A_33 : vector<16xf32> to vector<16xf32>
    %get3A_35 = arith.constant 48 : index
    %get3A_36 = tpu.vector_load %arg13[%get3A_35] {strides = array<i32>} : memref<128xf32, #tpu.memory_space<vmem>>, vector<16xf32>,
    %get3A_37 = vector.shape_cast %get3A_36 : vector<16xf32> to vector<16xf32>
    %get3A_38 = arith.constant 64 : index
    %get3A_39 = tpu.vector_load %arg13[%get3A_38] {strides = array<i32>} : memref<128xf32, #tpu.memory_space<vmem>>, vector<16xf32>,
    %get3A_40 = vector.shape_cast %get3A_39 : vector<16xf32> to vector<16xf32>
    %get3A_41 = arith.constant 80 : index
    %get3A_42 = tpu.vector_load %arg13[%get3A_41] {strides = array<i32>} : memref<128xf32, #tpu.memory_space<vmem>>, vector<16xf32>,
    %get3A_43 = vector.shape_cast %get3A_42 : vector<16xf32> to vector<16xf32>
    %get3A_44 = arith.constant 96 : index
    %get3A_45 = tpu.vector_load %arg13[%get3A_44] {strides = array<i32>} : memref<128xf32, #tpu.memory_space<vmem>>, vector<16xf32>,
    %get3A_46 = vector.shape_cast %get3A_45 : vector<16xf32> to vector<16xf32>
    %get3A_47 = arith.constant 112 : index
    %get3A_48 = tpu.vector_load %arg13[%get3A_47] {strides = array<i32>} : memref<128xf32, #tpu.memory_space<vmem>>, vector<16xf32>,
    %get3A_49 = vector.shape_cast %get3A_48 : vector<16xf32> to vector<16xf32>
    %dma_start3A = arith.constant 0 : i32
    %dma_start3A_50 = arith.constant 0 : i32
    %dma_start3A_51 = arith.constant 0 : i32
    %dma_start3A_52 = tpu.memref_slice %arg9[%dma_start3A_50, %dma_start3A_51] : memref<200x128xf32, #tpu.memory_space<vmem>> -> memref<128x128xf32, #tpu.memory_space<vmem>>
    %dma_start3A_53 = arith.constant 0 : i32
    %dma_start3A_54 = tpu.memref_slice %arg8[%dma_start3A, %dma_start3A_53] : memref<32x200xi32, #tpu.memory_space<vmem>> -> memref<1x128xi32, #tpu.memory_space<vmem>>
    %dma_start3A_55 = tpu.memref_squeeze %dma_start3A_54 : memref<1x128xi32, #tpu.memory_space<vmem>> -> memref<128xi32, #tpu.memory_space<vmem>>
    %dma_start3A_56 = arith.constant 0 : i32
    %dma_start3A_57 = arith.constant 0 : i32
    %dma_start3A_58 = tpu.memref_slice %arg3[%dma_start3A_56, %dma_start3A_57] : memref<100000x128xf32, #tpu.memory_space<hbm>> -> memref<100000x128xf32, #tpu.memory_space<hbm>>
    tpu.enqueue_indirect_dma source(%dma_start3A_58 : memref<100000x128xf32, #tpu.memory_space<hbm>>) target(%dma_start3A_52 : memref<128x128xf32, #tpu.memory_space<vmem>>) offsets(%dma_start3A_55 : memref<128xi32, #tpu.memory_space<vmem>>) semaphore(%arg14 : memref<!tpu.dma_semaphore, #tpu.memory_space<semaphore_mem>>)
    %dma_start3A_59 = arith.constant 0 : i32
    %dma_start3A_60 = arith.constant 128 : i32
    %dma_start3A_61 = arith.constant 0 : i32
    %dma_start3A_62 = tpu.memref_slice %arg9[%dma_start3A_60, %dma_start3A_61] : memref<200x128xf32, #tpu.memory_space<vmem>> -> memref<72x128xf32, #tpu.memory_space<vmem>>
    %dma_start3A_63 = arith.constant 128 : i32
    %dma_start3A_64 = tpu.memref_slice %arg8[%dma_start3A_59, %dma_start3A_63] : memref<32x200xi32, #tpu.memory_space<vmem>> -> memref<1x72xi32, #tpu.memory_space<vmem>>
    %dma_start3A_65 = tpu.memref_squeeze %dma_start3A_64 : memref<1x72xi32, #tpu.memory_space<vmem>> -> memref<72xi32, #tpu.memory_space<vmem>>
    %dma_start3A_66 = arith.constant 0 : i32
    %dma_start3A_67 = arith.constant 0 : i32
    %dma_start3A_68 = tpu.memref_slice %arg3[%dma_start3A_66, %dma_start3A_67] : memref<100000x128xf32, #tpu.memory_space<hbm>> -> memref<100000x128xf32, #tpu.memory_space<hbm>>
    tpu.enqueue_indirect_dma source(%dma_start3A_68 : memref<100000x128xf32, #tpu.memory_space<hbm>>) target(%dma_start3A_62 : memref<72x128xf32, #tpu.memory_space<vmem>>) offsets(%dma_start3A_65 : memref<72xi32, #tpu.memory_space<vmem>>) semaphore(%arg14 : memref<!tpu.dma_semaphore, #tpu.memory_space<semaphore_mem>>)
    %scan3A = arith.constant 0 : i32
    %scan3A_69 = arith.constant 0 : i32
    %scan3A_70 = arith.constant 16 : i32
    %scan3A_71 = arith.addi %scan3A_69, %scan3A_70 : i32
    %scan3A_72 = arith.constant 1 : i32
    scf.for %scan3A_82 = %scan3A_69 to %scan3A_71 step %scan3A_72  : i32 {
      %mul3A_83 = arith.constant 2 : i32
      %mul3A_84 = arith.muli %scan3A_82, %mul3A_83 : i32
      %add3A_85 = arith.constant 0 : i32
      %add3A_86 = arith.addi %mul3A_84, %add3A_85 : i32
      %ge3A = arith.constant 1 : i32
      %ge3A_87 = arith.cmpi sge, %add3A_86, %ge3A : i32
      %convert_element_type3A = arith.extui %ge3A_87 : i1 to i32
      %cond3A = arith.constant 0 : i32
      %cond3A_88 = arith.cmpi ne, %convert_element_type3A, %cond3A : i32
      scf.if %cond3A_88 {
        %dma_wait3A_146 = arith.constant 0 : i32
        %dma_wait3A_147 = arith.constant 0 : i32
        %dma_wait3A_148 = arith.constant 0 : i32
        %dma_wait3A_149 = tpu.memref_slice %arg7[%dma_wait3A_146, %dma_wait3A_147, %dma_wait3A_148] : memref<1024x200x128xf32, #tpu.memory_space<hbm>> -> memref<1x200x128xf32, #tpu.memory_space<hbm>>
        %dma_wait3A_150 = tpu.memref_squeeze %dma_wait3A_149 : memref<1x200x128xf32, #tpu.memory_space<hbm>> -> memref<200x128xf32, #tpu.memory_space<hbm>>
        %dma_wait3A_151 = arith.constant 0 : i32
        %dma_wait3A_152 = arith.constant 0 : i32
        %dma_wait3A_153 = tpu.memref_slice %arg7[%dma_wait3A_146, %dma_wait3A_151, %dma_wait3A_152] : memref<1024x200x128xf32, #tpu.memory_space<hbm>> -> memref<1x200x128xf32, #tpu.memory_space<hbm>>
        %dma_wait3A_154 = tpu.memref_squeeze %dma_wait3A_153 : memref<1x200x128xf32, #tpu.memory_space<hbm>> -> memref<200x128xf32, #tpu.memory_space<hbm>>
        tpu.wait_dma2 semaphore(%arg17 : memref<!tpu.dma_semaphore, #tpu.memory_space<semaphore_mem>>) src(%arg10 : memref<200x128xf32, #tpu.memory_space<vmem>>) dst(%dma_wait3A_154 : memref<200x128xf32, #tpu.memory_space<hbm>>)
      } else {
      }
      %add3A_89 = arith.constant 1 : i32
      %add3A_90 = arith.addi %add3A_86, %add3A_89 : i32
      %lt3A = arith.constant 32 : i32
      %lt3A_91 = arith.cmpi slt, %add3A_90, %lt3A : i32
      %convert_element_type3A_92 = arith.extui %lt3A_91 : i1 to i32
      %cond3A_93 = arith.constant 0 : i32
      %cond3A_94 = arith.cmpi ne, %convert_element_type3A_92, %cond3A_93 : i32
      scf.if %cond3A_94 {
        %add3A_146 = arith.constant 1 : i32
        %add3A_147 = arith.addi %add3A_86, %add3A_146 : i32
        %dma_start3A_148 = arith.constant 0 : i32
        %dma_start3A_149 = arith.constant 0 : i32
        %dma_start3A_150 = tpu.memref_slice %arg10[%dma_start3A_148, %dma_start3A_149] : memref<200x128xf32, #tpu.memory_space<vmem>> -> memref<128x128xf32, #tpu.memory_space<vmem>>
        %dma_start3A_151 = arith.constant 0 : i32
        %dma_start3A_152 = tpu.memref_slice %arg8[%add3A_147, %dma_start3A_151] : memref<32x200xi32, #tpu.memory_space<vmem>> -> memref<1x128xi32, #tpu.memory_space<vmem>>
        %dma_start3A_153 = tpu.memref_squeeze %dma_start3A_152 : memref<1x128xi32, #tpu.memory_space<vmem>> -> memref<128xi32, #tpu.memory_space<vmem>>
        %dma_start3A_154 = arith.constant 0 : i32
        %dma_start3A_155 = arith.constant 0 : i32
        %dma_start3A_156 = tpu.memref_slice %arg3[%dma_start3A_154, %dma_start3A_155] : memref<100000x128xf32, #tpu.memory_space<hbm>> -> memref<100000x128xf32, #tpu.memory_space<hbm>>
        tpu.enqueue_indirect_dma source(%dma_start3A_156 : memref<100000x128xf32, #tpu.memory_space<hbm>>) target(%dma_start3A_150 : memref<128x128xf32, #tpu.memory_space<vmem>>) offsets(%dma_start3A_153 : memref<128xi32, #tpu.memory_space<vmem>>) semaphore(%arg15 : memref<!tpu.dma_semaphore, #tpu.memory_space<semaphore_mem>>)
        %dma_start3A_157 = arith.constant 128 : i32
        %dma_start3A_158 = arith.constant 0 : i32
        %dma_start3A_159 = tpu.memref_slice %arg10[%dma_start3A_157, %dma_start3A_158] : memref<200x128xf32, #tpu.memory_space<vmem>> -> memref<72x128xf32, #tpu.memory_space<vmem>>
        %dma_start3A_160 = arith.constant 128 : i32
        %dma_start3A_161 = tpu.memref_slice %arg8[%add3A_147, %dma_start3A_160] : memref<32x200xi32, #tpu.memory_space<vmem>> -> memref<1x72xi32, #tpu.memory_space<vmem>>
        %dma_start3A_162 = tpu.memref_squeeze %dma_start3A_161 : memref<1x72xi32, #tpu.memory_space<vmem>> -> memref<72xi32, #tpu.memory_space<vmem>>
        %dma_start3A_163 = arith.constant 0 : i32
        %dma_start3A_164 = arith.constant 0 : i32
        %dma_start3A_165 = tpu.memref_slice %arg3[%dma_start3A_163, %dma_start3A_164] : memref<100000x128xf32, #tpu.memory_space<hbm>> -> memref<100000x128xf32, #tpu.memory_space<hbm>>
        tpu.enqueue_indirect_dma source(%dma_start3A_165 : memref<100000x128xf32, #tpu.memory_space<hbm>>) target(%dma_start3A_159 : memref<72x128xf32, #tpu.memory_space<vmem>>) offsets(%dma_start3A_162 : memref<72xi32, #tpu.memory_space<vmem>>) semaphore(%arg15 : memref<!tpu.dma_semaphore, #tpu.memory_space<semaphore_mem>>)
      } else {
      }
      %dma_wait3A_95 = arith.constant 0 : i32
      %dma_wait3A_96 = arith.constant 0 : i32
      %dma_wait3A_97 = tpu.memref_slice %arg3[%dma_wait3A_95, %dma_wait3A_96] : memref<100000x128xf32, #tpu.memory_space<hbm>> -> memref<200x128xf32, #tpu.memory_space<hbm>>
      %dma_wait3A_98 = arith.constant 0 : i32
      %dma_wait3A_99 = arith.constant 0 : i32
      %dma_wait3A_100 = tpu.memref_slice %arg3[%dma_wait3A_98, %dma_wait3A_99] : memref<100000x128xf32, #tpu.memory_space<hbm>> -> memref<200x128xf32, #tpu.memory_space<hbm>>
      tpu.wait_dma2 semaphore(%arg14 : memref<!tpu.dma_semaphore, #tpu.memory_space<semaphore_mem>>) src(%dma_wait3A_100 : memref<200x128xf32, #tpu.memory_space<hbm>>) dst(%arg9 : memref<200x128xf32, #tpu.memory_space<vmem>>)
      %parallel_loop3A = arith.constant 0 : i32
      %parallel_loop3A_101 = arith.constant 200 : i32
      %parallel_loop3A_102 = arith.constant 1 : i32
      scf.for %parallel_loop3A_146 = %parallel_loop3A to %parallel_loop3A_101 step %parallel_loop3A_102  : i32 {
        %parallel_loop3A_147 = arith.index_cast %parallel_loop3A_146 : i32 to index
        %parallel_loop3A_148 = arith.constant 0 : index
        %parallel_loop3A_149 = tpu.vector_load %arg9[%parallel_loop3A_147, %parallel_loop3A_148] {strides = array<i32>} : memref<200x128xf32, #tpu.memory_space<vmem>>, vector<1x16xf32>,
        %parallel_loop3A_150 = vector.shape_cast %parallel_loop3A_149 : vector<1x16xf32> to vector<16xf32>
        %parallel_loop3A_151 = arith.index_cast %parallel_loop3A_146 : i32 to index
        %parallel_loop3A_152 = arith.constant 0 : index
        %parallel_loop3A_153 = tpu.vector_load %arg11[%parallel_loop3A_151, %parallel_loop3A_152] {strides = array<i32>} : memref<200x128xf32, #tpu.memory_space<vmem>>, vector<1x16xf32>,
        %parallel_loop3A_154 = vector.shape_cast %parallel_loop3A_153 : vector<1x16xf32> to vector<16xf32>
        %parallel_loop3A_155 = arith.addf %parallel_loop3A_150, %parallel_loop3A_154 : vector<16xf32>
        %parallel_loop3A_156 = arith.mulf %parallel_loop3A_155, %parallel_loop3A_155 : vector<16xf32>
        %parallel_loop3A_157 = arith.index_cast %parallel_loop3A_146 : i32 to index
        %parallel_loop3A_158 = arith.constant 16 : index
        %parallel_loop3A_159 = tpu.vector_load %arg9[%parallel_loop3A_157, %parallel_loop3A_158] {strides = array<i32>} : memref<200x128xf32, #tpu.memory_space<vmem>>, vector<1x16xf32>,
        %parallel_loop3A_160 = vector.shape_cast %parallel_loop3A_159 : vector<1x16xf32> to vector<16xf32>
        %parallel_loop3A_161 = arith.index_cast %parallel_loop3A_146 : i32 to index
        %parallel_loop3A_162 = arith.constant 16 : index
        %parallel_loop3A_163 = tpu.vector_load %arg11[%parallel_loop3A_161, %parallel_loop3A_162] {strides = array<i32>} : memref<200x128xf32, #tpu.memory_space<vmem>>, vector<1x16xf32>,
        %parallel_loop3A_164 = vector.shape_cast %parallel_loop3A_163 : vector<1x16xf32> to vector<16xf32>
        %parallel_loop3A_165 = arith.addf %parallel_loop3A_160, %parallel_loop3A_164 : vector<16xf32>
        %parallel_loop3A_166 = arith.addf %parallel_loop3A_155, %parallel_loop3A_165 : vector<16xf32>
        %parallel_loop3A_167 = arith.mulf %parallel_loop3A_165, %parallel_loop3A_165 : vector<16xf32>
        %parallel_loop3A_168 = arith.addf %parallel_loop3A_156, %parallel_loop3A_167 : vector<16xf32>
        %parallel_loop3A_169 = arith.index_cast %parallel_loop3A_146 : i32 to index
        %parallel_loop3A_170 = arith.constant 32 : index
        %parallel_loop3A_171 = tpu.vector_load %arg9[%parallel_loop3A_169, %parallel_loop3A_170] {strides = array<i32>} : memref<200x128xf32, #tpu.memory_space<vmem>>, vector<1x16xf32>,
        %parallel_loop3A_172 = vector.shape_cast %parallel_loop3A_171 : vector<1x16xf32> to vector<16xf32>
        %parallel_loop3A_173 = arith.index_cast %parallel_loop3A_146 : i32 to index
        %parallel_loop3A_174 = arith.constant 32 : index
        %parallel_loop3A_175 = tpu.vector_load %arg11[%parallel_loop3A_173, %parallel_loop3A_174] {strides = array<i32>} : memref<200x128xf32, #tpu.memory_space<vmem>>, vector<1x16xf32>,
        %parallel_loop3A_176 = vector.shape_cast %parallel_loop3A_175 : vector<1x16xf32> to vector<16xf32>
        %parallel_loop3A_177 = arith.addf %parallel_loop3A_172, %parallel_loop3A_176 : vector<16xf32>
        %parallel_loop3A_178 = arith.addf %parallel_loop3A_166, %parallel_loop3A_177 : vector<16xf32>
        %parallel_loop3A_179 = arith.mulf %parallel_loop3A_177, %parallel_loop3A_177 : vector<16xf32>
        %parallel_loop3A_180 = arith.addf %parallel_loop3A_168, %parallel_loop3A_179 : vector<16xf32>
        %parallel_loop3A_181 = arith.index_cast %parallel_loop3A_146 : i32 to index
        %parallel_loop3A_182 = arith.constant 48 : index
        %parallel_loop3A_183 = tpu.vector_load %arg9[%parallel_loop3A_181, %parallel_loop3A_182] {strides = array<i32>} : memref<200x128xf32, #tpu.memory_space<vmem>>, vector<1x16xf32>,
        %parallel_loop3A_184 = vector.shape_cast %parallel_loop3A_183 : vector<1x16xf32> to vector<16xf32>
        %parallel_loop3A_185 = arith.index_cast %parallel_loop3A_146 : i32 to index
        %parallel_loop3A_186 = arith.constant 48 : index
        %parallel_loop3A_187 = tpu.vector_load %arg11[%parallel_loop3A_185, %parallel_loop3A_186] {strides = array<i32>} : memref<200x128xf32, #tpu.memory_space<vmem>>, vector<1x16xf32>,
        %parallel_loop3A_188 = vector.shape_cast %parallel_loop3A_187 : vector<1x16xf32> to vector<16xf32>
        %parallel_loop3A_189 = arith.addf %parallel_loop3A_184, %parallel_loop3A_188 : vector<16xf32>
        %parallel_loop3A_190 = arith.addf %parallel_loop3A_178, %parallel_loop3A_189 : vector<16xf32>
        %parallel_loop3A_191 = arith.mulf %parallel_loop3A_189, %parallel_loop3A_189 : vector<16xf32>
        %parallel_loop3A_192 = arith.addf %parallel_loop3A_180, %parallel_loop3A_191 : vector<16xf32>
        %parallel_loop3A_193 = arith.index_cast %parallel_loop3A_146 : i32 to index
        %parallel_loop3A_194 = arith.constant 64 : index
        %parallel_loop3A_195 = tpu.vector_load %arg9[%parallel_loop3A_193, %parallel_loop3A_194] {strides = array<i32>} : memref<200x128xf32, #tpu.memory_space<vmem>>, vector<1x16xf32>,
        %parallel_loop3A_196 = vector.shape_cast %parallel_loop3A_195 : vector<1x16xf32> to vector<16xf32>
        %parallel_loop3A_197 = arith.index_cast %parallel_loop3A_146 : i32 to index
        %parallel_loop3A_198 = arith.constant 64 : index
        %parallel_loop3A_199 = tpu.vector_load %arg11[%parallel_loop3A_197, %parallel_loop3A_198] {strides = array<i32>} : memref<200x128xf32, #tpu.memory_space<vmem>>, vector<1x16xf32>,
        %parallel_loop3A_200 = vector.shape_cast %parallel_loop3A_199 : vector<1x16xf32> to vector<16xf32>
        %parallel_loop3A_201 = arith.addf %parallel_loop3A_196, %parallel_loop3A_200 : vector<16xf32>
        %parallel_loop3A_202 = arith.addf %parallel_loop3A_190, %parallel_loop3A_201 : vector<16xf32>
        %parallel_loop3A_203 = arith.mulf %parallel_loop3A_201, %parallel_loop3A_201 : vector<16xf32>
        %parallel_loop3A_204 = arith.addf %parallel_loop3A_192, %parallel_loop3A_203 : vector<16xf32>
        %parallel_loop3A_205 = arith.index_cast %parallel_loop3A_146 : i32 to index
        %parallel_loop3A_206 = arith.constant 80 : index
        %parallel_loop3A_207 = tpu.vector_load %arg9[%parallel_loop3A_205, %parallel_loop3A_206] {strides = array<i32>} : memref<200x128xf32, #tpu.memory_space<vmem>>, vector<1x16xf32>,
        %parallel_loop3A_208 = vector.shape_cast %parallel_loop3A_207 : vector<1x16xf32> to vector<16xf32>
        %parallel_loop3A_209 = arith.index_cast %parallel_loop3A_146 : i32 to index
        %parallel_loop3A_210 = arith.constant 80 : index
        %parallel_loop3A_211 = tpu.vector_load %arg11[%parallel_loop3A_209, %parallel_loop3A_210] {strides = array<i32>} : memref<200x128xf32, #tpu.memory_space<vmem>>, vector<1x16xf32>,
        %parallel_loop3A_212 = vector.shape_cast %parallel_loop3A_211 : vector<1x16xf32> to vector<16xf32>
        %parallel_loop3A_213 = arith.addf %parallel_loop3A_208, %parallel_loop3A_212 : vector<16xf32>
        %parallel_loop3A_214 = arith.addf %parallel_loop3A_202, %parallel_loop3A_213 : vector<16xf32>
        %parallel_loop3A_215 = arith.mulf %parallel_loop3A_213, %parallel_loop3A_213 : vector<16xf32>
        %parallel_loop3A_216 = arith.addf %parallel_loop3A_204, %parallel_loop3A_215 : vector<16xf32>
        %parallel_loop3A_217 = arith.index_cast %parallel_loop3A_146 : i32 to index
        %parallel_loop3A_218 = arith.constant 96 : index
        %parallel_loop3A_219 = tpu.vector_load %arg9[%parallel_loop3A_217, %parallel_loop3A_218] {strides = array<i32>} : memref<200x128xf32, #tpu.memory_space<vmem>>, vector<1x16xf32>,
        %parallel_loop3A_220 = vector.shape_cast %parallel_loop3A_219 : vector<1x16xf32> to vector<16xf32>
        %parallel_loop3A_221 = arith.index_cast %parallel_loop3A_146 : i32 to index
        %parallel_loop3A_222 = arith.constant 96 : index
        %parallel_loop3A_223 = tpu.vector_load %arg11[%parallel_loop3A_221, %parallel_loop3A_222] {strides = array<i32>} : memref<200x128xf32, #tpu.memory_space<vmem>>, vector<1x16xf32>,
        %parallel_loop3A_224 = vector.shape_cast %parallel_loop3A_223 : vector<1x16xf32> to vector<16xf32>
        %parallel_loop3A_225 = arith.addf %parallel_loop3A_220, %parallel_loop3A_224 : vector<16xf32>
        %parallel_loop3A_226 = arith.addf %parallel_loop3A_214, %parallel_loop3A_225 : vector<16xf32>
        %parallel_loop3A_227 = arith.mulf %parallel_loop3A_225, %parallel_loop3A_225 : vector<16xf32>
        %parallel_loop3A_228 = arith.addf %parallel_loop3A_216, %parallel_loop3A_227 : vector<16xf32>
        %parallel_loop3A_229 = arith.index_cast %parallel_loop3A_146 : i32 to index
        %parallel_loop3A_230 = arith.constant 112 : index
        %parallel_loop3A_231 = tpu.vector_load %arg9[%parallel_loop3A_229, %parallel_loop3A_230] {strides = array<i32>} : memref<200x128xf32, #tpu.memory_space<vmem>>, vector<1x16xf32>,
        %parallel_loop3A_232 = vector.shape_cast %parallel_loop3A_231 : vector<1x16xf32> to vector<16xf32>
        %parallel_loop3A_233 = arith.index_cast %parallel_loop3A_146 : i32 to index
        %parallel_loop3A_234 = arith.constant 112 : index
        %parallel_loop3A_235 = tpu.vector_load %arg11[%parallel_loop3A_233, %parallel_loop3A_234] {strides = array<i32>} : memref<200x128xf32, #tpu.memory_space<vmem>>, vector<1x16xf32>,
        %parallel_loop3A_236 = vector.shape_cast %parallel_loop3A_235 : vector<1x16xf32> to vector<16xf32>
        %parallel_loop3A_237 = arith.addf %parallel_loop3A_232, %parallel_loop3A_236 : vector<16xf32>
        %parallel_loop3A_238 = arith.addf %parallel_loop3A_226, %parallel_loop3A_237 : vector<16xf32>
        %parallel_loop3A_239 = arith.mulf %parallel_loop3A_237, %parallel_loop3A_237 : vector<16xf32>
        %parallel_loop3A_240 = arith.addf %parallel_loop3A_228, %parallel_loop3A_239 : vector<16xf32>
        %parallel_loop3A_241 = tpu.iota {dimensions = array<i32: 0>} : vector<16xi32>
        %parallel_loop3A_242 = arith.constant 8 : i32
        %parallel_loop3A_243 = vector.broadcast %parallel_loop3A_242 : i32 to vector<16xi32>
        %parallel_loop3A_244 = arith.xori %parallel_loop3A_241, %parallel_loop3A_243 : vector<16xi32>
        %parallel_loop3A_245 = vector.shape_cast %parallel_loop3A_244 : vector<16xi32> to vector<16x1xi32>
        %parallel_loop3A_246 = vector.shape_cast %parallel_loop3A_245 : vector<16x1xi32> to vector<16xi32>
        %parallel_loop3A_247 = tpu.dynamic_gather %parallel_loop3A_238[%parallel_loop3A_246] in [0] : vector<16xf32>, vector<16xi32> -> vector<16xf32>
        %parallel_loop3A_248 = arith.addf %parallel_loop3A_238, %parallel_loop3A_247 : vector<16xf32>
        %parallel_loop3A_249 = tpu.iota {dimensions = array<i32: 0>} : vector<16xi32>
        %parallel_loop3A_250 = arith.constant 4 : i32
        %parallel_loop3A_251 = vector.broadcast %parallel_loop3A_250 : i32 to vector<16xi32>
        %parallel_loop3A_252 = arith.xori %parallel_loop3A_249, %parallel_loop3A_251 : vector<16xi32>
        %parallel_loop3A_253 = vector.shape_cast %parallel_loop3A_252 : vector<16xi32> to vector<16x1xi32>
        %parallel_loop3A_254 = vector.shape_cast %parallel_loop3A_253 : vector<16x1xi32> to vector<16xi32>
        %parallel_loop3A_255 = tpu.dynamic_gather %parallel_loop3A_248[%parallel_loop3A_254] in [0] : vector<16xf32>, vector<16xi32> -> vector<16xf32>
        %parallel_loop3A_256 = arith.addf %parallel_loop3A_248, %parallel_loop3A_255 : vector<16xf32>
        %parallel_loop3A_257 = tpu.iota {dimensions = array<i32: 0>} : vector<16xi32>
        %parallel_loop3A_258 = arith.constant 2 : i32
        %parallel_loop3A_259 = vector.broadcast %parallel_loop3A_258 : i32 to vector<16xi32>
        %parallel_loop3A_260 = arith.xori %parallel_loop3A_257, %parallel_loop3A_259 : vector<16xi32>
        %parallel_loop3A_261 = vector.shape_cast %parallel_loop3A_260 : vector<16xi32> to vector<16x1xi32>
        %parallel_loop3A_262 = vector.shape_cast %parallel_loop3A_261 : vector<16x1xi32> to vector<16xi32>
        %parallel_loop3A_263 = tpu.dynamic_gather %parallel_loop3A_256[%parallel_loop3A_262] in [0] : vector<16xf32>, vector<16xi32> -> vector<16xf32>
        %parallel_loop3A_264 = arith.addf %parallel_loop3A_256, %parallel_loop3A_263 : vector<16xf32>
        %parallel_loop3A_265 = tpu.iota {dimensions = array<i32: 0>} : vector<16xi32>
        %parallel_loop3A_266 = arith.constant 1 : i32
        %parallel_loop3A_267 = vector.broadcast %parallel_loop3A_266 : i32 to vector<16xi32>
        %parallel_loop3A_268 = arith.xori %parallel_loop3A_265, %parallel_loop3A_267 : vector<16xi32>
        %parallel_loop3A_269 = vector.shape_cast %parallel_loop3A_268 : vector<16xi32> to vector<16x1xi32>
        %parallel_loop3A_270 = vector.shape_cast %parallel_loop3A_269 : vector<16x1xi32> to vector<16xi32>
        %parallel_loop3A_271 = tpu.dynamic_gather %parallel_loop3A_264[%parallel_loop3A_270] in [0] : vector<16xf32>, vector<16xi32> -> vector<16xf32>
        %parallel_loop3A_272 = arith.addf %parallel_loop3A_264, %parallel_loop3A_271 : vector<16xf32>
        %parallel_loop3A_273 = arith.constant 7.812500e-03 : f32
        %parallel_loop3A_274 = vector.broadcast %parallel_loop3A_273 : f32 to vector<16xf32>
        %parallel_loop3A_275 = arith.mulf %parallel_loop3A_272, %parallel_loop3A_274 : vector<16xf32>
        %parallel_loop3A_276 = tpu.iota {dimensions = array<i32: 0>} : vector<16xi32>
        %parallel_loop3A_277 = arith.constant 8 : i32
        %parallel_loop3A_278 = vector.broadcast %parallel_loop3A_277 : i32 to vector<16xi32>
        %parallel_loop3A_279 = arith.xori %parallel_loop3A_276, %parallel_loop3A_278 : vector<16xi32>
        %parallel_loop3A_280 = vector.shape_cast %parallel_loop3A_279 : vector<16xi32> to vector<16x1xi32>
        %parallel_loop3A_281 = vector.shape_cast %parallel_loop3A_280 : vector<16x1xi32> to vector<16xi32>
        %parallel_loop3A_282 = tpu.dynamic_gather %parallel_loop3A_240[%parallel_loop3A_281] in [0] : vector<16xf32>, vector<16xi32> -> vector<16xf32>
        %parallel_loop3A_283 = arith.addf %parallel_loop3A_240, %parallel_loop3A_282 : vector<16xf32>
        %parallel_loop3A_284 = tpu.iota {dimensions = array<i32: 0>} : vector<16xi32>
        %parallel_loop3A_285 = arith.constant 4 : i32
        %parallel_loop3A_286 = vector.broadcast %parallel_loop3A_285 : i32 to vector<16xi32>
        %parallel_loop3A_287 = arith.xori %parallel_loop3A_284, %parallel_loop3A_286 : vector<16xi32>
        %parallel_loop3A_288 = vector.shape_cast %parallel_loop3A_287 : vector<16xi32> to vector<16x1xi32>
        %parallel_loop3A_289 = vector.shape_cast %parallel_loop3A_288 : vector<16x1xi32> to vector<16xi32>
        %parallel_loop3A_290 = tpu.dynamic_gather %parallel_loop3A_283[%parallel_loop3A_289] in [0] : vector<16xf32>, vector<16xi32> -> vector<16xf32>
        %parallel_loop3A_291 = arith.addf %parallel_loop3A_283, %parallel_loop3A_290 : vector<16xf32>
        %parallel_loop3A_292 = tpu.iota {dimensions = array<i32: 0>} : vector<16xi32>
        %parallel_loop3A_293 = arith.constant 2 : i32
        %parallel_loop3A_294 = vector.broadcast %parallel_loop3A_293 : i32 to vector<16xi32>
        %parallel_loop3A_295 = arith.xori %parallel_loop3A_292, %parallel_loop3A_294 : vector<16xi32>
        %parallel_loop3A_296 = vector.shape_cast %parallel_loop3A_295 : vector<16xi32> to vector<16x1xi32>
        %parallel_loop3A_297 = vector.shape_cast %parallel_loop3A_296 : vector<16x1xi32> to vector<16xi32>
        %parallel_loop3A_298 = tpu.dynamic_gather %parallel_loop3A_291[%parallel_loop3A_297] in [0] : vector<16xf32>, vector<16xi32> -> vector<16xf32>
        %parallel_loop3A_299 = arith.addf %parallel_loop3A_291, %parallel_loop3A_298 : vector<16xf32>
        %parallel_loop3A_300 = tpu.iota {dimensions = array<i32: 0>} : vector<16xi32>
        %parallel_loop3A_301 = arith.constant 1 : i32
        %parallel_loop3A_302 = vector.broadcast %parallel_loop3A_301 : i32 to vector<16xi32>
        %parallel_loop3A_303 = arith.xori %parallel_loop3A_300, %parallel_loop3A_302 : vector<16xi32>
        %parallel_loop3A_304 = vector.shape_cast %parallel_loop3A_303 : vector<16xi32> to vector<16x1xi32>
        %parallel_loop3A_305 = vector.shape_cast %parallel_loop3A_304 : vector<16x1xi32> to vector<16xi32>
        %parallel_loop3A_306 = tpu.dynamic_gather %parallel_loop3A_299[%parallel_loop3A_305] in [0] : vector<16xf32>, vector<16xi32> -> vector<16xf32>
        %parallel_loop3A_307 = arith.addf %parallel_loop3A_299, %parallel_loop3A_306 : vector<16xf32>
        %parallel_loop3A_308 = arith.constant 7.812500e-03 : f32
        %parallel_loop3A_309 = vector.broadcast %parallel_loop3A_308 : f32 to vector<16xf32>
        %parallel_loop3A_310 = arith.mulf %parallel_loop3A_307, %parallel_loop3A_309 : vector<16xf32>
        %parallel_loop3A_311 = arith.mulf %parallel_loop3A_275, %parallel_loop3A_275 : vector<16xf32>
        %parallel_loop3A_312 = arith.subf %parallel_loop3A_310, %parallel_loop3A_311 : vector<16xf32>
        %parallel_loop3A_313 = arith.constant 9.99999996E-13 : f32
        %parallel_loop3A_314 = vector.broadcast %parallel_loop3A_313 : f32 to vector<16xf32>
        %parallel_loop3A_315 = arith.addf %parallel_loop3A_312, %parallel_loop3A_314 : vector<16xf32>
        %parallel_loop3A_316 = tpu.bitcast %parallel_loop3A_315 : vector<16xf32> -> vector<16xi32>
        %parallel_loop3A_317 = arith.constant 1 : i32
        %parallel_loop3A_318 = vector.broadcast %parallel_loop3A_317 : i32 to vector<16xi32>
        %parallel_loop3A_319 = arith.shrui %parallel_loop3A_316, %parallel_loop3A_318 : vector<16xi32>
        %parallel_loop3A_320 = arith.constant 1597463007 : i32
        %parallel_loop3A_321 = vector.broadcast %parallel_loop3A_320 : i32 to vector<16xi32>
        %parallel_loop3A_322 = arith.subi %parallel_loop3A_321, %parallel_loop3A_319 : vector<16xi32>
        %parallel_loop3A_323 = tpu.bitcast %parallel_loop3A_322 : vector<16xi32> -> vector<16xf32>
        %parallel_loop3A_324 = arith.constant 5.000000e-01 : f32
        %parallel_loop3A_325 = vector.broadcast %parallel_loop3A_324 : f32 to vector<16xf32>
        %parallel_loop3A_326 = arith.mulf %parallel_loop3A_325, %parallel_loop3A_315 : vector<16xf32>
        %parallel_loop3A_327 = arith.mulf %parallel_loop3A_326, %parallel_loop3A_323 : vector<16xf32>
        %parallel_loop3A_328 = arith.mulf %parallel_loop3A_327, %parallel_loop3A_323 : vector<16xf32>
        %parallel_loop3A_329 = arith.constant 1.500000e+00 : f32
        %parallel_loop3A_330 = vector.broadcast %parallel_loop3A_329 : f32 to vector<16xf32>
        %parallel_loop3A_331 = arith.subf %parallel_loop3A_330, %parallel_loop3A_328 : vector<16xf32>
        %parallel_loop3A_332 = arith.mulf %parallel_loop3A_323, %parallel_loop3A_331 : vector<16xf32>
        %parallel_loop3A_333 = arith.subf %parallel_loop3A_155, %parallel_loop3A_275 : vector<16xf32>
        %parallel_loop3A_334 = arith.mulf %parallel_loop3A_333, %parallel_loop3A_332 : vector<16xf32>
        %parallel_loop3A_335 = arith.mulf %parallel_loop3A_334, %get3A_4 : vector<16xf32>
        %parallel_loop3A_336 = arith.addf %parallel_loop3A_335, %get3A_28 : vector<16xf32>
        %parallel_loop3A_337 = arith.index_cast %parallel_loop3A_146 : i32 to index
        %parallel_loop3A_338 = arith.constant 0 : index
        %parallel_loop3A_339 = tpu.vector_load %arg9[%parallel_loop3A_337, %parallel_loop3A_338] {strides = array<i32>} : memref<200x128xf32, #tpu.memory_space<vmem>>, vector<1x16xf32>,
        %parallel_loop3A_340 = vector.shape_cast %parallel_loop3A_339 : vector<1x16xf32> to vector<16xf32>
        %parallel_loop3A_341 = vector.shape_cast %parallel_loop3A_336 : vector<16xf32> to vector<1x16xf32>
        tpu.vector_store %arg9[%parallel_loop3A_337, %parallel_loop3A_338], %parallel_loop3A_341 {strides = array<i32>} : memref<200x128xf32, #tpu.memory_space<vmem>>, vector<1x16xf32>,
        %parallel_loop3A_342 = arith.subf %parallel_loop3A_165, %parallel_loop3A_275 : vector<16xf32>
        %parallel_loop3A_343 = arith.mulf %parallel_loop3A_342, %parallel_loop3A_332 : vector<16xf32>
        %parallel_loop3A_344 = arith.mulf %parallel_loop3A_343, %get3A_7 : vector<16xf32>
        %parallel_loop3A_345 = arith.addf %parallel_loop3A_344, %get3A_31 : vector<16xf32>
        %parallel_loop3A_346 = arith.index_cast %parallel_loop3A_146 : i32 to index
        %parallel_loop3A_347 = arith.constant 16 : index
        %parallel_loop3A_348 = tpu.vector_load %arg9[%parallel_loop3A_346, %parallel_loop3A_347] {strides = array<i32>} : memref<200x128xf32, #tpu.memory_space<vmem>>, vector<1x16xf32>,
        %parallel_loop3A_349 = vector.shape_cast %parallel_loop3A_348 : vector<1x16xf32> to vector<16xf32>
        %parallel_loop3A_350 = vector.shape_cast %parallel_loop3A_345 : vector<16xf32> to vector<1x16xf32>
        tpu.vector_store %arg9[%parallel_loop3A_346, %parallel_loop3A_347], %parallel_loop3A_350 {strides = array<i32>} : memref<200x128xf32, #tpu.memory_space<vmem>>, vector<1x16xf32>,
        %parallel_loop3A_351 = arith.subf %parallel_loop3A_177, %parallel_loop3A_275 : vector<16xf32>
        %parallel_loop3A_352 = arith.mulf %parallel_loop3A_351, %parallel_loop3A_332 : vector<16xf32>
        %parallel_loop3A_353 = arith.mulf %parallel_loop3A_352, %get3A_10 : vector<16xf32>
        %parallel_loop3A_354 = arith.addf %parallel_loop3A_353, %get3A_34 : vector<16xf32>
        %parallel_loop3A_355 = arith.index_cast %parallel_loop3A_146 : i32 to index
        %parallel_loop3A_356 = arith.constant 32 : index
        %parallel_loop3A_357 = tpu.vector_load %arg9[%parallel_loop3A_355, %parallel_loop3A_356] {strides = array<i32>} : memref<200x128xf32, #tpu.memory_space<vmem>>, vector<1x16xf32>,
        %parallel_loop3A_358 = vector.shape_cast %parallel_loop3A_357 : vector<1x16xf32> to vector<16xf32>
        %parallel_loop3A_359 = vector.shape_cast %parallel_loop3A_354 : vector<16xf32> to vector<1x16xf32>
        tpu.vector_store %arg9[%parallel_loop3A_355, %parallel_loop3A_356], %parallel_loop3A_359 {strides = array<i32>} : memref<200x128xf32, #tpu.memory_space<vmem>>, vector<1x16xf32>,
        %parallel_loop3A_360 = arith.subf %parallel_loop3A_189, %parallel_loop3A_275 : vector<16xf32>
        %parallel_loop3A_361 = arith.mulf %parallel_loop3A_360, %parallel_loop3A_332 : vector<16xf32>
        %parallel_loop3A_362 = arith.mulf %parallel_loop3A_361, %get3A_13 : vector<16xf32>
        %parallel_loop3A_363 = arith.addf %parallel_loop3A_362, %get3A_37 : vector<16xf32>
        %parallel_loop3A_364 = arith.index_cast %parallel_loop3A_146 : i32 to index
        %parallel_loop3A_365 = arith.constant 48 : index
        %parallel_loop3A_366 = tpu.vector_load %arg9[%parallel_loop3A_364, %parallel_loop3A_365] {strides = array<i32>} : memref<200x128xf32, #tpu.memory_space<vmem>>, vector<1x16xf32>,
        %parallel_loop3A_367 = vector.shape_cast %parallel_loop3A_366 : vector<1x16xf32> to vector<16xf32>
        %parallel_loop3A_368 = vector.shape_cast %parallel_loop3A_363 : vector<16xf32> to vector<1x16xf32>
        tpu.vector_store %arg9[%parallel_loop3A_364, %parallel_loop3A_365], %parallel_loop3A_368 {strides = array<i32>} : memref<200x128xf32, #tpu.memory_space<vmem>>, vector<1x16xf32>,
        %parallel_loop3A_369 = arith.subf %parallel_loop3A_201, %parallel_loop3A_275 : vector<16xf32>
        %parallel_loop3A_370 = arith.mulf %parallel_loop3A_369, %parallel_loop3A_332 : vector<16xf32>
        %parallel_loop3A_371 = arith.mulf %parallel_loop3A_370, %get3A_16 : vector<16xf32>
        %parallel_loop3A_372 = arith.addf %parallel_loop3A_371, %get3A_40 : vector<16xf32>
        %parallel_loop3A_373 = arith.index_cast %parallel_loop3A_146 : i32 to index
        %parallel_loop3A_374 = arith.constant 64 : index
        %parallel_loop3A_375 = tpu.vector_load %arg9[%parallel_loop3A_373, %parallel_loop3A_374] {strides = array<i32>} : memref<200x128xf32, #tpu.memory_space<vmem>>, vector<1x16xf32>,
        %parallel_loop3A_376 = vector.shape_cast %parallel_loop3A_375 : vector<1x16xf32> to vector<16xf32>
        %parallel_loop3A_377 = vector.shape_cast %parallel_loop3A_372 : vector<16xf32> to vector<1x16xf32>
        tpu.vector_store %arg9[%parallel_loop3A_373, %parallel_loop3A_374], %parallel_loop3A_377 {strides = array<i32>} : memref<200x128xf32, #tpu.memory_space<vmem>>, vector<1x16xf32>,
        %parallel_loop3A_378 = arith.subf %parallel_loop3A_213, %parallel_loop3A_275 : vector<16xf32>
        %parallel_loop3A_379 = arith.mulf %parallel_loop3A_378, %parallel_loop3A_332 : vector<16xf32>
        %parallel_loop3A_380 = arith.mulf %parallel_loop3A_379, %get3A_19 : vector<16xf32>
        %parallel_loop3A_381 = arith.addf %parallel_loop3A_380, %get3A_43 : vector<16xf32>
        %parallel_loop3A_382 = arith.index_cast %parallel_loop3A_146 : i32 to index
        %parallel_loop3A_383 = arith.constant 80 : index
        %parallel_loop3A_384 = tpu.vector_load %arg9[%parallel_loop3A_382, %parallel_loop3A_383] {strides = array<i32>} : memref<200x128xf32, #tpu.memory_space<vmem>>, vector<1x16xf32>,
        %parallel_loop3A_385 = vector.shape_cast %parallel_loop3A_384 : vector<1x16xf32> to vector<16xf32>
        %parallel_loop3A_386 = vector.shape_cast %parallel_loop3A_381 : vector<16xf32> to vector<1x16xf32>
        tpu.vector_store %arg9[%parallel_loop3A_382, %parallel_loop3A_383], %parallel_loop3A_386 {strides = array<i32>} : memref<200x128xf32, #tpu.memory_space<vmem>>, vector<1x16xf32>,
        %parallel_loop3A_387 = arith.subf %parallel_loop3A_225, %parallel_loop3A_275 : vector<16xf32>
        %parallel_loop3A_388 = arith.mulf %parallel_loop3A_387, %parallel_loop3A_332 : vector<16xf32>
        %parallel_loop3A_389 = arith.mulf %parallel_loop3A_388, %get3A_22 : vector<16xf32>
        %parallel_loop3A_390 = arith.addf %parallel_loop3A_389, %get3A_46 : vector<16xf32>
        %parallel_loop3A_391 = arith.index_cast %parallel_loop3A_146 : i32 to index
        %parallel_loop3A_392 = arith.constant 96 : index
        %parallel_loop3A_393 = tpu.vector_load %arg9[%parallel_loop3A_391, %parallel_loop3A_392] {strides = array<i32>} : memref<200x128xf32, #tpu.memory_space<vmem>>, vector<1x16xf32>,
        %parallel_loop3A_394 = vector.shape_cast %parallel_loop3A_393 : vector<1x16xf32> to vector<16xf32>
        %parallel_loop3A_395 = vector.shape_cast %parallel_loop3A_390 : vector<16xf32> to vector<1x16xf32>
        tpu.vector_store %arg9[%parallel_loop3A_391, %parallel_loop3A_392], %parallel_loop3A_395 {strides = array<i32>} : memref<200x128xf32, #tpu.memory_space<vmem>>, vector<1x16xf32>,
        %parallel_loop3A_396 = arith.subf %parallel_loop3A_237, %parallel_loop3A_275 : vector<16xf32>
        %parallel_loop3A_397 = arith.mulf %parallel_loop3A_396, %parallel_loop3A_332 : vector<16xf32>
        %parallel_loop3A_398 = arith.mulf %parallel_loop3A_397, %get3A_25 : vector<16xf32>
        %parallel_loop3A_399 = arith.addf %parallel_loop3A_398, %get3A_49 : vector<16xf32>
        %parallel_loop3A_400 = arith.index_cast %parallel_loop3A_146 : i32 to index
        %parallel_loop3A_401 = arith.constant 112 : index
        %parallel_loop3A_402 = tpu.vector_load %arg9[%parallel_loop3A_400, %parallel_loop3A_401] {strides = array<i32>} : memref<200x128xf32, #tpu.memory_space<vmem>>, vector<1x16xf32>,
        %parallel_loop3A_403 = vector.shape_cast %parallel_loop3A_402 : vector<1x16xf32> to vector<16xf32>
        %parallel_loop3A_404 = vector.shape_cast %parallel_loop3A_399 : vector<16xf32> to vector<1x16xf32>
        tpu.vector_store %arg9[%parallel_loop3A_400, %parallel_loop3A_401], %parallel_loop3A_404 {strides = array<i32>} : memref<200x128xf32, #tpu.memory_space<vmem>>, vector<1x16xf32>,
      } {sc.loop_unroll_factor = 1 : i64, sc.parallel_access}
      %add3A_103 = arith.addi %mul3A_2, %add3A_86 : i32
      %dma_start3A_104 = arith.constant 0 : i32
      %dma_start3A_105 = arith.constant 0 : i32
      %dma_start3A_106 = tpu.memref_slice %arg7[%add3A_103, %dma_start3A_104, %dma_start3A_105] : memref<1024x200x128xf32, #tpu.memory_space<hbm>> -> memref<1x200x128xf32, #tpu.memory_space<hbm>>
      %dma_start3A_107 = tpu.memref_squeeze %dma_start3A_106 : memref<1x200x128xf32, #tpu.memory_space<hbm>> -> memref<200x128xf32, #tpu.memory_space<hbm>>
      %dma_start3A_108 = arith.constant 0 : i32
      %dma_start3A_109 = arith.constant 0 : i32
      %dma_start3A_110 = tpu.memref_slice %arg7[%add3A_103, %dma_start3A_108, %dma_start3A_109] : memref<1024x200x128xf32, #tpu.memory_space<hbm>> -> memref<1x200x128xf32, #tpu.memory_space<hbm>>
      %dma_start3A_111 = tpu.memref_squeeze %dma_start3A_110 : memref<1x200x128xf32, #tpu.memory_space<hbm>> -> memref<200x128xf32, #tpu.memory_space<hbm>>
      tpu.enqueue_dma source(%arg9 : memref<200x128xf32, #tpu.memory_space<vmem>>) target(%dma_start3A_111 : memref<200x128xf32, #tpu.memory_space<hbm>>) target_semaphore(%arg16 : memref<!tpu.dma_semaphore, #tpu.memory_space<semaphore_mem>>)
      %mul3A_112 = arith.constant 2 : i32
      %mul3A_113 = arith.muli %scan3A_82, %mul3A_112 : i32
      %add3A_114 = arith.constant 1 : i32
      %add3A_115 = arith.addi %mul3A_113, %add3A_114 : i32
      %ge3A_116 = arith.constant 1 : i32
      %ge3A_117 = arith.cmpi sge, %add3A_115, %ge3A_116 : i32
      %convert_element_type3A_118 = arith.extui %ge3A_117 : i1 to i32
      %cond3A_119 = arith.constant 0 : i32
      %cond3A_120 = arith.cmpi ne, %convert_element_type3A_118, %cond3A_119 : i32
      scf.if %cond3A_120 {
        %dma_wait3A_146 = arith.constant 0 : i32
        %dma_wait3A_147 = arith.constant 0 : i32
        %dma_wait3A_148 = arith.constant 0 : i32
        %dma_wait3A_149 = tpu.memref_slice %arg7[%dma_wait3A_146, %dma_wait3A_147, %dma_wait3A_148] : memref<1024x200x128xf32, #tpu.memory_space<hbm>> -> memref<1x200x128xf32, #tpu.memory_space<hbm>>
        %dma_wait3A_150 = tpu.memref_squeeze %dma_wait3A_149 : memref<1x200x128xf32, #tpu.memory_space<hbm>> -> memref<200x128xf32, #tpu.memory_space<hbm>>
        %dma_wait3A_151 = arith.constant 0 : i32
        %dma_wait3A_152 = arith.constant 0 : i32
        %dma_wait3A_153 = tpu.memref_slice %arg7[%dma_wait3A_146, %dma_wait3A_151, %dma_wait3A_152] : memref<1024x200x128xf32, #tpu.memory_space<hbm>> -> memref<1x200x128xf32, #tpu.memory_space<hbm>>
        %dma_wait3A_154 = tpu.memref_squeeze %dma_wait3A_153 : memref<1x200x128xf32, #tpu.memory_space<hbm>> -> memref<200x128xf32, #tpu.memory_space<hbm>>
        tpu.wait_dma2 semaphore(%arg16 : memref<!tpu.dma_semaphore, #tpu.memory_space<semaphore_mem>>) src(%arg9 : memref<200x128xf32, #tpu.memory_space<vmem>>) dst(%dma_wait3A_154 : memref<200x128xf32, #tpu.memory_space<hbm>>)
      } else {
      }
      %add3A_121 = arith.constant 1 : i32
      %add3A_122 = arith.addi %add3A_115, %add3A_121 : i32
      %lt3A_123 = arith.constant 32 : i32
      %lt3A_124 = arith.cmpi slt, %add3A_122, %lt3A_123 : i32
      %convert_element_type3A_125 = arith.extui %lt3A_124 : i1 to i32
      %cond3A_126 = arith.constant 0 : i32
      %cond3A_127 = arith.cmpi ne, %convert_element_type3A_125, %cond3A_126 : i32
      scf.if %cond3A_127 {
        %add3A_146 = arith.constant 1 : i32
        %add3A_147 = arith.addi %add3A_115, %add3A_146 : i32
        %dma_start3A_148 = arith.constant 0 : i32
        %dma_start3A_149 = arith.constant 0 : i32
        %dma_start3A_150 = tpu.memref_slice %arg9[%dma_start3A_148, %dma_start3A_149] : memref<200x128xf32, #tpu.memory_space<vmem>> -> memref<128x128xf32, #tpu.memory_space<vmem>>
        %dma_start3A_151 = arith.constant 0 : i32
        %dma_start3A_152 = tpu.memref_slice %arg8[%add3A_147, %dma_start3A_151] : memref<32x200xi32, #tpu.memory_space<vmem>> -> memref<1x128xi32, #tpu.memory_space<vmem>>
        %dma_start3A_153 = tpu.memref_squeeze %dma_start3A_152 : memref<1x128xi32, #tpu.memory_space<vmem>> -> memref<128xi32, #tpu.memory_space<vmem>>
        %dma_start3A_154 = arith.constant 0 : i32
        %dma_start3A_155 = arith.constant 0 : i32
        %dma_start3A_156 = tpu.memref_slice %arg3[%dma_start3A_154, %dma_start3A_155] : memref<100000x128xf32, #tpu.memory_space<hbm>> -> memref<100000x128xf32, #tpu.memory_space<hbm>>
        tpu.enqueue_indirect_dma source(%dma_start3A_156 : memref<100000x128xf32, #tpu.memory_space<hbm>>) target(%dma_start3A_150 : memref<128x128xf32, #tpu.memory_space<vmem>>) offsets(%dma_start3A_153 : memref<128xi32, #tpu.memory_space<vmem>>) semaphore(%arg14 : memref<!tpu.dma_semaphore, #tpu.memory_space<semaphore_mem>>)
        %dma_start3A_157 = arith.constant 128 : i32
        %dma_start3A_158 = arith.constant 0 : i32
        %dma_start3A_159 = tpu.memref_slice %arg9[%dma_start3A_157, %dma_start3A_158] : memref<200x128xf32, #tpu.memory_space<vmem>> -> memref<72x128xf32, #tpu.memory_space<vmem>>
        %dma_start3A_160 = arith.constant 128 : i32
        %dma_start3A_161 = tpu.memref_slice %arg8[%add3A_147, %dma_start3A_160] : memref<32x200xi32, #tpu.memory_space<vmem>> -> memref<1x72xi32, #tpu.memory_space<vmem>>
        %dma_start3A_162 = tpu.memref_squeeze %dma_start3A_161 : memref<1x72xi32, #tpu.memory_space<vmem>> -> memref<72xi32, #tpu.memory_space<vmem>>
        %dma_start3A_163 = arith.constant 0 : i32
        %dma_start3A_164 = arith.constant 0 : i32
        %dma_start3A_165 = tpu.memref_slice %arg3[%dma_start3A_163, %dma_start3A_164] : memref<100000x128xf32, #tpu.memory_space<hbm>> -> memref<100000x128xf32, #tpu.memory_space<hbm>>
        tpu.enqueue_indirect_dma source(%dma_start3A_165 : memref<100000x128xf32, #tpu.memory_space<hbm>>) target(%dma_start3A_159 : memref<72x128xf32, #tpu.memory_space<vmem>>) offsets(%dma_start3A_162 : memref<72xi32, #tpu.memory_space<vmem>>) semaphore(%arg14 : memref<!tpu.dma_semaphore, #tpu.memory_space<semaphore_mem>>)
      } else {
      }
      %dma_wait3A_128 = arith.constant 0 : i32
      %dma_wait3A_129 = arith.constant 0 : i32
      %dma_wait3A_130 = tpu.memref_slice %arg3[%dma_wait3A_128, %dma_wait3A_129] : memref<100000x128xf32, #tpu.memory_space<hbm>> -> memref<200x128xf32, #tpu.memory_space<hbm>>
      %dma_wait3A_131 = arith.constant 0 : i32
      %dma_wait3A_132 = arith.constant 0 : i32
      %dma_wait3A_133 = tpu.memref_slice %arg3[%dma_wait3A_131, %dma_wait3A_132] : memref<100000x128xf32, #tpu.memory_space<hbm>> -> memref<200x128xf32, #tpu.memory_space<hbm>>
      tpu.wait_dma2 semaphore(%arg15 : memref<!tpu.dma_semaphore, #tpu.memory_space<semaphore_mem>>) src(%dma_wait3A_133 : memref<200x128xf32, #tpu.memory_space<hbm>>) dst(%arg10 : memref<200x128xf32, #tpu.memory_space<vmem>>)
      %parallel_loop3A_134 = arith.constant 0 : i32
      %parallel_loop3A_135 = arith.constant 200 : i32
      %parallel_loop3A_136 = arith.constant 1 : i32
      scf.for %parallel_loop3A_146 = %parallel_loop3A_134 to %parallel_loop3A_135 step %parallel_loop3A_136  : i32 {
        %parallel_loop3A_147 = arith.index_cast %parallel_loop3A_146 : i32 to index
        %parallel_loop3A_148 = arith.constant 0 : index
        %parallel_loop3A_149 = tpu.vector_load %arg10[%parallel_loop3A_147, %parallel_loop3A_148] {strides = array<i32>} : memref<200x128xf32, #tpu.memory_space<vmem>>, vector<1x16xf32>,
        %parallel_loop3A_150 = vector.shape_cast %parallel_loop3A_149 : vector<1x16xf32> to vector<16xf32>
        %parallel_loop3A_151 = arith.index_cast %parallel_loop3A_146 : i32 to index
        %parallel_loop3A_152 = arith.constant 0 : index
        %parallel_loop3A_153 = tpu.vector_load %arg11[%parallel_loop3A_151, %parallel_loop3A_152] {strides = array<i32>} : memref<200x128xf32, #tpu.memory_space<vmem>>, vector<1x16xf32>,
        %parallel_loop3A_154 = vector.shape_cast %parallel_loop3A_153 : vector<1x16xf32> to vector<16xf32>
        %parallel_loop3A_155 = arith.addf %parallel_loop3A_150, %parallel_loop3A_154 : vector<16xf32>
        %parallel_loop3A_156 = arith.mulf %parallel_loop3A_155, %parallel_loop3A_155 : vector<16xf32>
        %parallel_loop3A_157 = arith.index_cast %parallel_loop3A_146 : i32 to index
        %parallel_loop3A_158 = arith.constant 16 : index
        %parallel_loop3A_159 = tpu.vector_load %arg10[%parallel_loop3A_157, %parallel_loop3A_158] {strides = array<i32>} : memref<200x128xf32, #tpu.memory_space<vmem>>, vector<1x16xf32>,
        %parallel_loop3A_160 = vector.shape_cast %parallel_loop3A_159 : vector<1x16xf32> to vector<16xf32>
        %parallel_loop3A_161 = arith.index_cast %parallel_loop3A_146 : i32 to index
        %parallel_loop3A_162 = arith.constant 16 : index
        %parallel_loop3A_163 = tpu.vector_load %arg11[%parallel_loop3A_161, %parallel_loop3A_162] {strides = array<i32>} : memref<200x128xf32, #tpu.memory_space<vmem>>, vector<1x16xf32>,
        %parallel_loop3A_164 = vector.shape_cast %parallel_loop3A_163 : vector<1x16xf32> to vector<16xf32>
        %parallel_loop3A_165 = arith.addf %parallel_loop3A_160, %parallel_loop3A_164 : vector<16xf32>
        %parallel_loop3A_166 = arith.addf %parallel_loop3A_155, %parallel_loop3A_165 : vector<16xf32>
        %parallel_loop3A_167 = arith.mulf %parallel_loop3A_165, %parallel_loop3A_165 : vector<16xf32>
        %parallel_loop3A_168 = arith.addf %parallel_loop3A_156, %parallel_loop3A_167 : vector<16xf32>
        %parallel_loop3A_169 = arith.index_cast %parallel_loop3A_146 : i32 to index
        %parallel_loop3A_170 = arith.constant 32 : index
        %parallel_loop3A_171 = tpu.vector_load %arg10[%parallel_loop3A_169, %parallel_loop3A_170] {strides = array<i32>} : memref<200x128xf32, #tpu.memory_space<vmem>>, vector<1x16xf32>,
        %parallel_loop3A_172 = vector.shape_cast %parallel_loop3A_171 : vector<1x16xf32> to vector<16xf32>
        %parallel_loop3A_173 = arith.index_cast %parallel_loop3A_146 : i32 to index
        %parallel_loop3A_174 = arith.constant 32 : index
        %parallel_loop3A_175 = tpu.vector_load %arg11[%parallel_loop3A_173, %parallel_loop3A_174] {strides = array<i32>} : memref<200x128xf32, #tpu.memory_space<vmem>>, vector<1x16xf32>,
        %parallel_loop3A_176 = vector.shape_cast %parallel_loop3A_175 : vector<1x16xf32> to vector<16xf32>
        %parallel_loop3A_177 = arith.addf %parallel_loop3A_172, %parallel_loop3A_176 : vector<16xf32>
        %parallel_loop3A_178 = arith.addf %parallel_loop3A_166, %parallel_loop3A_177 : vector<16xf32>
        %parallel_loop3A_179 = arith.mulf %parallel_loop3A_177, %parallel_loop3A_177 : vector<16xf32>
        %parallel_loop3A_180 = arith.addf %parallel_loop3A_168, %parallel_loop3A_179 : vector<16xf32>
        %parallel_loop3A_181 = arith.index_cast %parallel_loop3A_146 : i32 to index
        %parallel_loop3A_182 = arith.constant 48 : index
        %parallel_loop3A_183 = tpu.vector_load %arg10[%parallel_loop3A_181, %parallel_loop3A_182] {strides = array<i32>} : memref<200x128xf32, #tpu.memory_space<vmem>>, vector<1x16xf32>,
        %parallel_loop3A_184 = vector.shape_cast %parallel_loop3A_183 : vector<1x16xf32> to vector<16xf32>
        %parallel_loop3A_185 = arith.index_cast %parallel_loop3A_146 : i32 to index
        %parallel_loop3A_186 = arith.constant 48 : index
        %parallel_loop3A_187 = tpu.vector_load %arg11[%parallel_loop3A_185, %parallel_loop3A_186] {strides = array<i32>} : memref<200x128xf32, #tpu.memory_space<vmem>>, vector<1x16xf32>,
        %parallel_loop3A_188 = vector.shape_cast %parallel_loop3A_187 : vector<1x16xf32> to vector<16xf32>
        %parallel_loop3A_189 = arith.addf %parallel_loop3A_184, %parallel_loop3A_188 : vector<16xf32>
        %parallel_loop3A_190 = arith.addf %parallel_loop3A_178, %parallel_loop3A_189 : vector<16xf32>
        %parallel_loop3A_191 = arith.mulf %parallel_loop3A_189, %parallel_loop3A_189 : vector<16xf32>
        %parallel_loop3A_192 = arith.addf %parallel_loop3A_180, %parallel_loop3A_191 : vector<16xf32>
        %parallel_loop3A_193 = arith.index_cast %parallel_loop3A_146 : i32 to index
        %parallel_loop3A_194 = arith.constant 64 : index
        %parallel_loop3A_195 = tpu.vector_load %arg10[%parallel_loop3A_193, %parallel_loop3A_194] {strides = array<i32>} : memref<200x128xf32, #tpu.memory_space<vmem>>, vector<1x16xf32>,
        %parallel_loop3A_196 = vector.shape_cast %parallel_loop3A_195 : vector<1x16xf32> to vector<16xf32>
        %parallel_loop3A_197 = arith.index_cast %parallel_loop3A_146 : i32 to index
        %parallel_loop3A_198 = arith.constant 64 : index
        %parallel_loop3A_199 = tpu.vector_load %arg11[%parallel_loop3A_197, %parallel_loop3A_198] {strides = array<i32>} : memref<200x128xf32, #tpu.memory_space<vmem>>, vector<1x16xf32>,
        %parallel_loop3A_200 = vector.shape_cast %parallel_loop3A_199 : vector<1x16xf32> to vector<16xf32>
        %parallel_loop3A_201 = arith.addf %parallel_loop3A_196, %parallel_loop3A_200 : vector<16xf32>
        %parallel_loop3A_202 = arith.addf %parallel_loop3A_190, %parallel_loop3A_201 : vector<16xf32>
        %parallel_loop3A_203 = arith.mulf %parallel_loop3A_201, %parallel_loop3A_201 : vector<16xf32>
        %parallel_loop3A_204 = arith.addf %parallel_loop3A_192, %parallel_loop3A_203 : vector<16xf32>
        %parallel_loop3A_205 = arith.index_cast %parallel_loop3A_146 : i32 to index
        %parallel_loop3A_206 = arith.constant 80 : index
        %parallel_loop3A_207 = tpu.vector_load %arg10[%parallel_loop3A_205, %parallel_loop3A_206] {strides = array<i32>} : memref<200x128xf32, #tpu.memory_space<vmem>>, vector<1x16xf32>,
        %parallel_loop3A_208 = vector.shape_cast %parallel_loop3A_207 : vector<1x16xf32> to vector<16xf32>
        %parallel_loop3A_209 = arith.index_cast %parallel_loop3A_146 : i32 to index
        %parallel_loop3A_210 = arith.constant 80 : index
        %parallel_loop3A_211 = tpu.vector_load %arg11[%parallel_loop3A_209, %parallel_loop3A_210] {strides = array<i32>} : memref<200x128xf32, #tpu.memory_space<vmem>>, vector<1x16xf32>,
        %parallel_loop3A_212 = vector.shape_cast %parallel_loop3A_211 : vector<1x16xf32> to vector<16xf32>
        %parallel_loop3A_213 = arith.addf %parallel_loop3A_208, %parallel_loop3A_212 : vector<16xf32>
        %parallel_loop3A_214 = arith.addf %parallel_loop3A_202, %parallel_loop3A_213 : vector<16xf32>
        %parallel_loop3A_215 = arith.mulf %parallel_loop3A_213, %parallel_loop3A_213 : vector<16xf32>
        %parallel_loop3A_216 = arith.addf %parallel_loop3A_204, %parallel_loop3A_215 : vector<16xf32>
        %parallel_loop3A_217 = arith.index_cast %parallel_loop3A_146 : i32 to index
        %parallel_loop3A_218 = arith.constant 96 : index
        %parallel_loop3A_219 = tpu.vector_load %arg10[%parallel_loop3A_217, %parallel_loop3A_218] {strides = array<i32>} : memref<200x128xf32, #tpu.memory_space<vmem>>, vector<1x16xf32>,
        %parallel_loop3A_220 = vector.shape_cast %parallel_loop3A_219 : vector<1x16xf32> to vector<16xf32>
        %parallel_loop3A_221 = arith.index_cast %parallel_loop3A_146 : i32 to index
        %parallel_loop3A_222 = arith.constant 96 : index
        %parallel_loop3A_223 = tpu.vector_load %arg11[%parallel_loop3A_221, %parallel_loop3A_222] {strides = array<i32>} : memref<200x128xf32, #tpu.memory_space<vmem>>, vector<1x16xf32>,
        %parallel_loop3A_224 = vector.shape_cast %parallel_loop3A_223 : vector<1x16xf32> to vector<16xf32>
        %parallel_loop3A_225 = arith.addf %parallel_loop3A_220, %parallel_loop3A_224 : vector<16xf32>
        %parallel_loop3A_226 = arith.addf %parallel_loop3A_214, %parallel_loop3A_225 : vector<16xf32>
        %parallel_loop3A_227 = arith.mulf %parallel_loop3A_225, %parallel_loop3A_225 : vector<16xf32>
        %parallel_loop3A_228 = arith.addf %parallel_loop3A_216, %parallel_loop3A_227 : vector<16xf32>
        %parallel_loop3A_229 = arith.index_cast %parallel_loop3A_146 : i32 to index
        %parallel_loop3A_230 = arith.constant 112 : index
        %parallel_loop3A_231 = tpu.vector_load %arg10[%parallel_loop3A_229, %parallel_loop3A_230] {strides = array<i32>} : memref<200x128xf32, #tpu.memory_space<vmem>>, vector<1x16xf32>,
        %parallel_loop3A_232 = vector.shape_cast %parallel_loop3A_231 : vector<1x16xf32> to vector<16xf32>
        %parallel_loop3A_233 = arith.index_cast %parallel_loop3A_146 : i32 to index
        %parallel_loop3A_234 = arith.constant 112 : index
        %parallel_loop3A_235 = tpu.vector_load %arg11[%parallel_loop3A_233, %parallel_loop3A_234] {strides = array<i32>} : memref<200x128xf32, #tpu.memory_space<vmem>>, vector<1x16xf32>,
        %parallel_loop3A_236 = vector.shape_cast %parallel_loop3A_235 : vector<1x16xf32> to vector<16xf32>
        %parallel_loop3A_237 = arith.addf %parallel_loop3A_232, %parallel_loop3A_236 : vector<16xf32>
        %parallel_loop3A_238 = arith.addf %parallel_loop3A_226, %parallel_loop3A_237 : vector<16xf32>
        %parallel_loop3A_239 = arith.mulf %parallel_loop3A_237, %parallel_loop3A_237 : vector<16xf32>
        %parallel_loop3A_240 = arith.addf %parallel_loop3A_228, %parallel_loop3A_239 : vector<16xf32>
        %parallel_loop3A_241 = tpu.iota {dimensions = array<i32: 0>} : vector<16xi32>
        %parallel_loop3A_242 = arith.constant 8 : i32
        %parallel_loop3A_243 = vector.broadcast %parallel_loop3A_242 : i32 to vector<16xi32>
        %parallel_loop3A_244 = arith.xori %parallel_loop3A_241, %parallel_loop3A_243 : vector<16xi32>
        %parallel_loop3A_245 = vector.shape_cast %parallel_loop3A_244 : vector<16xi32> to vector<16x1xi32>
        %parallel_loop3A_246 = vector.shape_cast %parallel_loop3A_245 : vector<16x1xi32> to vector<16xi32>
        %parallel_loop3A_247 = tpu.dynamic_gather %parallel_loop3A_238[%parallel_loop3A_246] in [0] : vector<16xf32>, vector<16xi32> -> vector<16xf32>
        %parallel_loop3A_248 = arith.addf %parallel_loop3A_238, %parallel_loop3A_247 : vector<16xf32>
        %parallel_loop3A_249 = tpu.iota {dimensions = array<i32: 0>} : vector<16xi32>
        %parallel_loop3A_250 = arith.constant 4 : i32
        %parallel_loop3A_251 = vector.broadcast %parallel_loop3A_250 : i32 to vector<16xi32>
        %parallel_loop3A_252 = arith.xori %parallel_loop3A_249, %parallel_loop3A_251 : vector<16xi32>
        %parallel_loop3A_253 = vector.shape_cast %parallel_loop3A_252 : vector<16xi32> to vector<16x1xi32>
        %parallel_loop3A_254 = vector.shape_cast %parallel_loop3A_253 : vector<16x1xi32> to vector<16xi32>
        %parallel_loop3A_255 = tpu.dynamic_gather %parallel_loop3A_248[%parallel_loop3A_254] in [0] : vector<16xf32>, vector<16xi32> -> vector<16xf32>
        %parallel_loop3A_256 = arith.addf %parallel_loop3A_248, %parallel_loop3A_255 : vector<16xf32>
        %parallel_loop3A_257 = tpu.iota {dimensions = array<i32: 0>} : vector<16xi32>
        %parallel_loop3A_258 = arith.constant 2 : i32
        %parallel_loop3A_259 = vector.broadcast %parallel_loop3A_258 : i32 to vector<16xi32>
        %parallel_loop3A_260 = arith.xori %parallel_loop3A_257, %parallel_loop3A_259 : vector<16xi32>
        %parallel_loop3A_261 = vector.shape_cast %parallel_loop3A_260 : vector<16xi32> to vector<16x1xi32>
        %parallel_loop3A_262 = vector.shape_cast %parallel_loop3A_261 : vector<16x1xi32> to vector<16xi32>
        %parallel_loop3A_263 = tpu.dynamic_gather %parallel_loop3A_256[%parallel_loop3A_262] in [0] : vector<16xf32>, vector<16xi32> -> vector<16xf32>
        %parallel_loop3A_264 = arith.addf %parallel_loop3A_256, %parallel_loop3A_263 : vector<16xf32>
        %parallel_loop3A_265 = tpu.iota {dimensions = array<i32: 0>} : vector<16xi32>
        %parallel_loop3A_266 = arith.constant 1 : i32
        %parallel_loop3A_267 = vector.broadcast %parallel_loop3A_266 : i32 to vector<16xi32>
        %parallel_loop3A_268 = arith.xori %parallel_loop3A_265, %parallel_loop3A_267 : vector<16xi32>
        %parallel_loop3A_269 = vector.shape_cast %parallel_loop3A_268 : vector<16xi32> to vector<16x1xi32>
        %parallel_loop3A_270 = vector.shape_cast %parallel_loop3A_269 : vector<16x1xi32> to vector<16xi32>
        %parallel_loop3A_271 = tpu.dynamic_gather %parallel_loop3A_264[%parallel_loop3A_270] in [0] : vector<16xf32>, vector<16xi32> -> vector<16xf32>
        %parallel_loop3A_272 = arith.addf %parallel_loop3A_264, %parallel_loop3A_271 : vector<16xf32>
        %parallel_loop3A_273 = arith.constant 7.812500e-03 : f32
        %parallel_loop3A_274 = vector.broadcast %parallel_loop3A_273 : f32 to vector<16xf32>
        %parallel_loop3A_275 = arith.mulf %parallel_loop3A_272, %parallel_loop3A_274 : vector<16xf32>
        %parallel_loop3A_276 = tpu.iota {dimensions = array<i32: 0>} : vector<16xi32>
        %parallel_loop3A_277 = arith.constant 8 : i32
        %parallel_loop3A_278 = vector.broadcast %parallel_loop3A_277 : i32 to vector<16xi32>
        %parallel_loop3A_279 = arith.xori %parallel_loop3A_276, %parallel_loop3A_278 : vector<16xi32>
        %parallel_loop3A_280 = vector.shape_cast %parallel_loop3A_279 : vector<16xi32> to vector<16x1xi32>
        %parallel_loop3A_281 = vector.shape_cast %parallel_loop3A_280 : vector<16x1xi32> to vector<16xi32>
        %parallel_loop3A_282 = tpu.dynamic_gather %parallel_loop3A_240[%parallel_loop3A_281] in [0] : vector<16xf32>, vector<16xi32> -> vector<16xf32>
        %parallel_loop3A_283 = arith.addf %parallel_loop3A_240, %parallel_loop3A_282 : vector<16xf32>
        %parallel_loop3A_284 = tpu.iota {dimensions = array<i32: 0>} : vector<16xi32>
        %parallel_loop3A_285 = arith.constant 4 : i32
        %parallel_loop3A_286 = vector.broadcast %parallel_loop3A_285 : i32 to vector<16xi32>
        %parallel_loop3A_287 = arith.xori %parallel_loop3A_284, %parallel_loop3A_286 : vector<16xi32>
        %parallel_loop3A_288 = vector.shape_cast %parallel_loop3A_287 : vector<16xi32> to vector<16x1xi32>
        %parallel_loop3A_289 = vector.shape_cast %parallel_loop3A_288 : vector<16x1xi32> to vector<16xi32>
        %parallel_loop3A_290 = tpu.dynamic_gather %parallel_loop3A_283[%parallel_loop3A_289] in [0] : vector<16xf32>, vector<16xi32> -> vector<16xf32>
        %parallel_loop3A_291 = arith.addf %parallel_loop3A_283, %parallel_loop3A_290 : vector<16xf32>
        %parallel_loop3A_292 = tpu.iota {dimensions = array<i32: 0>} : vector<16xi32>
        %parallel_loop3A_293 = arith.constant 2 : i32
        %parallel_loop3A_294 = vector.broadcast %parallel_loop3A_293 : i32 to vector<16xi32>
        %parallel_loop3A_295 = arith.xori %parallel_loop3A_292, %parallel_loop3A_294 : vector<16xi32>
        %parallel_loop3A_296 = vector.shape_cast %parallel_loop3A_295 : vector<16xi32> to vector<16x1xi32>
        %parallel_loop3A_297 = vector.shape_cast %parallel_loop3A_296 : vector<16x1xi32> to vector<16xi32>
        %parallel_loop3A_298 = tpu.dynamic_gather %parallel_loop3A_291[%parallel_loop3A_297] in [0] : vector<16xf32>, vector<16xi32> -> vector<16xf32>
        %parallel_loop3A_299 = arith.addf %parallel_loop3A_291, %parallel_loop3A_298 : vector<16xf32>
        %parallel_loop3A_300 = tpu.iota {dimensions = array<i32: 0>} : vector<16xi32>
        %parallel_loop3A_301 = arith.constant 1 : i32
        %parallel_loop3A_302 = vector.broadcast %parallel_loop3A_301 : i32 to vector<16xi32>
        %parallel_loop3A_303 = arith.xori %parallel_loop3A_300, %parallel_loop3A_302 : vector<16xi32>
        %parallel_loop3A_304 = vector.shape_cast %parallel_loop3A_303 : vector<16xi32> to vector<16x1xi32>
        %parallel_loop3A_305 = vector.shape_cast %parallel_loop3A_304 : vector<16x1xi32> to vector<16xi32>
        %parallel_loop3A_306 = tpu.dynamic_gather %parallel_loop3A_299[%parallel_loop3A_305] in [0] : vector<16xf32>, vector<16xi32> -> vector<16xf32>
        %parallel_loop3A_307 = arith.addf %parallel_loop3A_299, %parallel_loop3A_306 : vector<16xf32>
        %parallel_loop3A_308 = arith.constant 7.812500e-03 : f32
        %parallel_loop3A_309 = vector.broadcast %parallel_loop3A_308 : f32 to vector<16xf32>
        %parallel_loop3A_310 = arith.mulf %parallel_loop3A_307, %parallel_loop3A_309 : vector<16xf32>
        %parallel_loop3A_311 = arith.mulf %parallel_loop3A_275, %parallel_loop3A_275 : vector<16xf32>
        %parallel_loop3A_312 = arith.subf %parallel_loop3A_310, %parallel_loop3A_311 : vector<16xf32>
        %parallel_loop3A_313 = arith.constant 9.99999996E-13 : f32
        %parallel_loop3A_314 = vector.broadcast %parallel_loop3A_313 : f32 to vector<16xf32>
        %parallel_loop3A_315 = arith.addf %parallel_loop3A_312, %parallel_loop3A_314 : vector<16xf32>
        %parallel_loop3A_316 = tpu.bitcast %parallel_loop3A_315 : vector<16xf32> -> vector<16xi32>
        %parallel_loop3A_317 = arith.constant 1 : i32
        %parallel_loop3A_318 = vector.broadcast %parallel_loop3A_317 : i32 to vector<16xi32>
        %parallel_loop3A_319 = arith.shrui %parallel_loop3A_316, %parallel_loop3A_318 : vector<16xi32>
        %parallel_loop3A_320 = arith.constant 1597463007 : i32
        %parallel_loop3A_321 = vector.broadcast %parallel_loop3A_320 : i32 to vector<16xi32>
        %parallel_loop3A_322 = arith.subi %parallel_loop3A_321, %parallel_loop3A_319 : vector<16xi32>
        %parallel_loop3A_323 = tpu.bitcast %parallel_loop3A_322 : vector<16xi32> -> vector<16xf32>
        %parallel_loop3A_324 = arith.constant 5.000000e-01 : f32
        %parallel_loop3A_325 = vector.broadcast %parallel_loop3A_324 : f32 to vector<16xf32>
        %parallel_loop3A_326 = arith.mulf %parallel_loop3A_325, %parallel_loop3A_315 : vector<16xf32>
        %parallel_loop3A_327 = arith.mulf %parallel_loop3A_326, %parallel_loop3A_323 : vector<16xf32>
        %parallel_loop3A_328 = arith.mulf %parallel_loop3A_327, %parallel_loop3A_323 : vector<16xf32>
        %parallel_loop3A_329 = arith.constant 1.500000e+00 : f32
        %parallel_loop3A_330 = vector.broadcast %parallel_loop3A_329 : f32 to vector<16xf32>
        %parallel_loop3A_331 = arith.subf %parallel_loop3A_330, %parallel_loop3A_328 : vector<16xf32>
        %parallel_loop3A_332 = arith.mulf %parallel_loop3A_323, %parallel_loop3A_331 : vector<16xf32>
        %parallel_loop3A_333 = arith.subf %parallel_loop3A_155, %parallel_loop3A_275 : vector<16xf32>
        %parallel_loop3A_334 = arith.mulf %parallel_loop3A_333, %parallel_loop3A_332 : vector<16xf32>
        %parallel_loop3A_335 = arith.mulf %parallel_loop3A_334, %get3A_4 : vector<16xf32>
        %parallel_loop3A_336 = arith.addf %parallel_loop3A_335, %get3A_28 : vector<16xf32>
        %parallel_loop3A_337 = arith.index_cast %parallel_loop3A_146 : i32 to index
        %parallel_loop3A_338 = arith.constant 0 : index
        %parallel_loop3A_339 = tpu.vector_load %arg10[%parallel_loop3A_337, %parallel_loop3A_338] {strides = array<i32>} : memref<200x128xf32, #tpu.memory_space<vmem>>, vector<1x16xf32>,
        %parallel_loop3A_340 = vector.shape_cast %parallel_loop3A_339 : vector<1x16xf32> to vector<16xf32>
        %parallel_loop3A_341 = vector.shape_cast %parallel_loop3A_336 : vector<16xf32> to vector<1x16xf32>
        tpu.vector_store %arg10[%parallel_loop3A_337, %parallel_loop3A_338], %parallel_loop3A_341 {strides = array<i32>} : memref<200x128xf32, #tpu.memory_space<vmem>>, vector<1x16xf32>,
        %parallel_loop3A_342 = arith.subf %parallel_loop3A_165, %parallel_loop3A_275 : vector<16xf32>
        %parallel_loop3A_343 = arith.mulf %parallel_loop3A_342, %parallel_loop3A_332 : vector<16xf32>
        %parallel_loop3A_344 = arith.mulf %parallel_loop3A_343, %get3A_7 : vector<16xf32>
        %parallel_loop3A_345 = arith.addf %parallel_loop3A_344, %get3A_31 : vector<16xf32>
        %parallel_loop3A_346 = arith.index_cast %parallel_loop3A_146 : i32 to index
        %parallel_loop3A_347 = arith.constant 16 : index
        %parallel_loop3A_348 = tpu.vector_load %arg10[%parallel_loop3A_346, %parallel_loop3A_347] {strides = array<i32>} : memref<200x128xf32, #tpu.memory_space<vmem>>, vector<1x16xf32>,
        %parallel_loop3A_349 = vector.shape_cast %parallel_loop3A_348 : vector<1x16xf32> to vector<16xf32>
        %parallel_loop3A_350 = vector.shape_cast %parallel_loop3A_345 : vector<16xf32> to vector<1x16xf32>
        tpu.vector_store %arg10[%parallel_loop3A_346, %parallel_loop3A_347], %parallel_loop3A_350 {strides = array<i32>} : memref<200x128xf32, #tpu.memory_space<vmem>>, vector<1x16xf32>,
        %parallel_loop3A_351 = arith.subf %parallel_loop3A_177, %parallel_loop3A_275 : vector<16xf32>
        %parallel_loop3A_352 = arith.mulf %parallel_loop3A_351, %parallel_loop3A_332 : vector<16xf32>
        %parallel_loop3A_353 = arith.mulf %parallel_loop3A_352, %get3A_10 : vector<16xf32>
        %parallel_loop3A_354 = arith.addf %parallel_loop3A_353, %get3A_34 : vector<16xf32>
        %parallel_loop3A_355 = arith.index_cast %parallel_loop3A_146 : i32 to index
        %parallel_loop3A_356 = arith.constant 32 : index
        %parallel_loop3A_357 = tpu.vector_load %arg10[%parallel_loop3A_355, %parallel_loop3A_356] {strides = array<i32>} : memref<200x128xf32, #tpu.memory_space<vmem>>, vector<1x16xf32>,
        %parallel_loop3A_358 = vector.shape_cast %parallel_loop3A_357 : vector<1x16xf32> to vector<16xf32>
        %parallel_loop3A_359 = vector.shape_cast %parallel_loop3A_354 : vector<16xf32> to vector<1x16xf32>
        tpu.vector_store %arg10[%parallel_loop3A_355, %parallel_loop3A_356], %parallel_loop3A_359 {strides = array<i32>} : memref<200x128xf32, #tpu.memory_space<vmem>>, vector<1x16xf32>,
        %parallel_loop3A_360 = arith.subf %parallel_loop3A_189, %parallel_loop3A_275 : vector<16xf32>
        %parallel_loop3A_361 = arith.mulf %parallel_loop3A_360, %parallel_loop3A_332 : vector<16xf32>
        %parallel_loop3A_362 = arith.mulf %parallel_loop3A_361, %get3A_13 : vector<16xf32>
        %parallel_loop3A_363 = arith.addf %parallel_loop3A_362, %get3A_37 : vector<16xf32>
        %parallel_loop3A_364 = arith.index_cast %parallel_loop3A_146 : i32 to index
        %parallel_loop3A_365 = arith.constant 48 : index
        %parallel_loop3A_366 = tpu.vector_load %arg10[%parallel_loop3A_364, %parallel_loop3A_365] {strides = array<i32>} : memref<200x128xf32, #tpu.memory_space<vmem>>, vector<1x16xf32>,
        %parallel_loop3A_367 = vector.shape_cast %parallel_loop3A_366 : vector<1x16xf32> to vector<16xf32>
        %parallel_loop3A_368 = vector.shape_cast %parallel_loop3A_363 : vector<16xf32> to vector<1x16xf32>
        tpu.vector_store %arg10[%parallel_loop3A_364, %parallel_loop3A_365], %parallel_loop3A_368 {strides = array<i32>} : memref<200x128xf32, #tpu.memory_space<vmem>>, vector<1x16xf32>,
        %parallel_loop3A_369 = arith.subf %parallel_loop3A_201, %parallel_loop3A_275 : vector<16xf32>
        %parallel_loop3A_370 = arith.mulf %parallel_loop3A_369, %parallel_loop3A_332 : vector<16xf32>
        %parallel_loop3A_371 = arith.mulf %parallel_loop3A_370, %get3A_16 : vector<16xf32>
        %parallel_loop3A_372 = arith.addf %parallel_loop3A_371, %get3A_40 : vector<16xf32>
        %parallel_loop3A_373 = arith.index_cast %parallel_loop3A_146 : i32 to index
        %parallel_loop3A_374 = arith.constant 64 : index
        %parallel_loop3A_375 = tpu.vector_load %arg10[%parallel_loop3A_373, %parallel_loop3A_374] {strides = array<i32>} : memref<200x128xf32, #tpu.memory_space<vmem>>, vector<1x16xf32>,
        %parallel_loop3A_376 = vector.shape_cast %parallel_loop3A_375 : vector<1x16xf32> to vector<16xf32>
        %parallel_loop3A_377 = vector.shape_cast %parallel_loop3A_372 : vector<16xf32> to vector<1x16xf32>
        tpu.vector_store %arg10[%parallel_loop3A_373, %parallel_loop3A_374], %parallel_loop3A_377 {strides = array<i32>} : memref<200x128xf32, #tpu.memory_space<vmem>>, vector<1x16xf32>,
        %parallel_loop3A_378 = arith.subf %parallel_loop3A_213, %parallel_loop3A_275 : vector<16xf32>
        %parallel_loop3A_379 = arith.mulf %parallel_loop3A_378, %parallel_loop3A_332 : vector<16xf32>
        %parallel_loop3A_380 = arith.mulf %parallel_loop3A_379, %get3A_19 : vector<16xf32>
        %parallel_loop3A_381 = arith.addf %parallel_loop3A_380, %get3A_43 : vector<16xf32>
        %parallel_loop3A_382 = arith.index_cast %parallel_loop3A_146 : i32 to index
        %parallel_loop3A_383 = arith.constant 80 : index
        %parallel_loop3A_384 = tpu.vector_load %arg10[%parallel_loop3A_382, %parallel_loop3A_383] {strides = array<i32>} : memref<200x128xf32, #tpu.memory_space<vmem>>, vector<1x16xf32>,
        %parallel_loop3A_385 = vector.shape_cast %parallel_loop3A_384 : vector<1x16xf32> to vector<16xf32>
        %parallel_loop3A_386 = vector.shape_cast %parallel_loop3A_381 : vector<16xf32> to vector<1x16xf32>
        tpu.vector_store %arg10[%parallel_loop3A_382, %parallel_loop3A_383], %parallel_loop3A_386 {strides = array<i32>} : memref<200x128xf32, #tpu.memory_space<vmem>>, vector<1x16xf32>,
        %parallel_loop3A_387 = arith.subf %parallel_loop3A_225, %parallel_loop3A_275 : vector<16xf32>
        %parallel_loop3A_388 = arith.mulf %parallel_loop3A_387, %parallel_loop3A_332 : vector<16xf32>
        %parallel_loop3A_389 = arith.mulf %parallel_loop3A_388, %get3A_22 : vector<16xf32>
        %parallel_loop3A_390 = arith.addf %parallel_loop3A_389, %get3A_46 : vector<16xf32>
        %parallel_loop3A_391 = arith.index_cast %parallel_loop3A_146 : i32 to index
        %parallel_loop3A_392 = arith.constant 96 : index
        %parallel_loop3A_393 = tpu.vector_load %arg10[%parallel_loop3A_391, %parallel_loop3A_392] {strides = array<i32>} : memref<200x128xf32, #tpu.memory_space<vmem>>, vector<1x16xf32>,
        %parallel_loop3A_394 = vector.shape_cast %parallel_loop3A_393 : vector<1x16xf32> to vector<16xf32>
        %parallel_loop3A_395 = vector.shape_cast %parallel_loop3A_390 : vector<16xf32> to vector<1x16xf32>
        tpu.vector_store %arg10[%parallel_loop3A_391, %parallel_loop3A_392], %parallel_loop3A_395 {strides = array<i32>} : memref<200x128xf32, #tpu.memory_space<vmem>>, vector<1x16xf32>,
        %parallel_loop3A_396 = arith.subf %parallel_loop3A_237, %parallel_loop3A_275 : vector<16xf32>
        %parallel_loop3A_397 = arith.mulf %parallel_loop3A_396, %parallel_loop3A_332 : vector<16xf32>
        %parallel_loop3A_398 = arith.mulf %parallel_loop3A_397, %get3A_25 : vector<16xf32>
        %parallel_loop3A_399 = arith.addf %parallel_loop3A_398, %get3A_49 : vector<16xf32>
        %parallel_loop3A_400 = arith.index_cast %parallel_loop3A_146 : i32 to index
        %parallel_loop3A_401 = arith.constant 112 : index
        %parallel_loop3A_402 = tpu.vector_load %arg10[%parallel_loop3A_400, %parallel_loop3A_401] {strides = array<i32>} : memref<200x128xf32, #tpu.memory_space<vmem>>, vector<1x16xf32>,
        %parallel_loop3A_403 = vector.shape_cast %parallel_loop3A_402 : vector<1x16xf32> to vector<16xf32>
        %parallel_loop3A_404 = vector.shape_cast %parallel_loop3A_399 : vector<16xf32> to vector<1x16xf32>
        tpu.vector_store %arg10[%parallel_loop3A_400, %parallel_loop3A_401], %parallel_loop3A_404 {strides = array<i32>} : memref<200x128xf32, #tpu.memory_space<vmem>>, vector<1x16xf32>,
      } {sc.loop_unroll_factor = 1 : i64, sc.parallel_access}
      %add3A_137 = arith.addi %mul3A_2, %add3A_115 : i32
      %dma_start3A_138 = arith.constant 0 : i32
      %dma_start3A_139 = arith.constant 0 : i32
      %dma_start3A_140 = tpu.memref_slice %arg7[%add3A_137, %dma_start3A_138, %dma_start3A_139] : memref<1024x200x128xf32, #tpu.memory_space<hbm>> -> memref<1x200x128xf32, #tpu.memory_space<hbm>>
      %dma_start3A_141 = tpu.memref_squeeze %dma_start3A_140 : memref<1x200x128xf32, #tpu.memory_space<hbm>> -> memref<200x128xf32, #tpu.memory_space<hbm>>
      %dma_start3A_142 = arith.constant 0 : i32
      %dma_start3A_143 = arith.constant 0 : i32
      %dma_start3A_144 = tpu.memref_slice %arg7[%add3A_137, %dma_start3A_142, %dma_start3A_143] : memref<1024x200x128xf32, #tpu.memory_space<hbm>> -> memref<1x200x128xf32, #tpu.memory_space<hbm>>
      %dma_start3A_145 = tpu.memref_squeeze %dma_start3A_144 : memref<1x200x128xf32, #tpu.memory_space<hbm>> -> memref<200x128xf32, #tpu.memory_space<hbm>>
      tpu.enqueue_dma source(%arg10 : memref<200x128xf32, #tpu.memory_space<vmem>>) target(%dma_start3A_145 : memref<200x128xf32, #tpu.memory_space<hbm>>) target_semaphore(%arg17 : memref<!tpu.dma_semaphore, #tpu.memory_space<semaphore_mem>>)
    }
    %scan3A_73 = arith.constant 16 : i32
    %dma_wait3A = arith.constant 0 : i32
    %dma_wait3A_74 = arith.constant 0 : i32
    %dma_wait3A_75 = arith.constant 0 : i32
    %dma_wait3A_76 = tpu.memref_slice %arg7[%dma_wait3A, %dma_wait3A_74, %dma_wait3A_75] : memref<1024x200x128xf32, #tpu.memory_space<hbm>> -> memref<1x200x128xf32, #tpu.memory_space<hbm>>
    %dma_wait3A_77 = tpu.memref_squeeze %dma_wait3A_76 : memref<1x200x128xf32, #tpu.memory_space<hbm>> -> memref<200x128xf32, #tpu.memory_space<hbm>>
    %dma_wait3A_78 = arith.constant 0 : i32
    %dma_wait3A_79 = arith.constant 0 : i32
    %dma_wait3A_80 = tpu.memref_slice %arg7[%dma_wait3A, %dma_wait3A_78, %dma_wait3A_79] : memref<1024x200x128xf32, #tpu.memory_space<hbm>> -> memref<1x200x128xf32, #tpu.memory_space<hbm>>
    %dma_wait3A_81 = tpu.memref_squeeze %dma_wait3A_80 : memref<1x200x128xf32, #tpu.memory_space<hbm>> -> memref<200x128xf32, #tpu.memory_space<hbm>>
    tpu.wait_dma2 semaphore(%arg17 : memref<!tpu.dma_semaphore, #tpu.memory_space<semaphore_mem>>) src(%arg10 : memref<200x128xf32, #tpu.memory_space<vmem>>) dst(%dma_wait3A_81 : memref<200x128xf32, #tpu.memory_space<hbm>>)
    return
  }
}

</mosaic_0001>

<sc_bundles>
// kernel: kernel.3.cloned.1.call-start
scs
__scs_entry_jumppad:
0x0: {  	(pc) =	sbr.rel $0x88, $3  }
0x1: {  	(tag) =	ssettag $0x0;
	lr =	simm.s32 $0x1  }
0x2: {  	[smem:$0x3F9C] =	sst lr;
	_ =	strace $0xD0000000  }
0x3: {  	_ = 	snop  }
0x4: {  	_ = 	snop  }
0x5: {  	_ = 	snop  }
0x6: {  	_ = 	snop  }
0x7: {  	_ = 	snop  }
__scs_overlays_trampoline_lowered:
0x8: {  	[smem:$0x3FAB] =	sst s0  }
0x9: {  	[smem:$0x3FAC] =	sst s1  }
0xa: {  	[smem:$0x3FAD] =	sst s2  }
0xb: {  	[smem:$0x3FAE] =	sst s3  }
0xc: {  	[smem:$0x3FAF] =	sst s4  }
0xd: {  	[smem:$0x3FB0] =	sst s5  }
0xe: {  	[smem:$0x3FB1] =	sst s6  }
0xf: {  	[smem:$0x3FB2] =	sst s7  }
0x10: {  	[smem:$0x3FB3] =	sst s8  }
0x11: {  	[smem:$0x3FB4] =	sst s9;
	s0 =	simm.s32 @!p0 $0x0  }
0x12: {  	s1 =	sld [smem:$0x3F9A];
	s0 =	simm.s32 @p0 $0x1  }
0x13: {  	[smem:$0x3FB5] =	sst s0;
	s0 =	simm.s32 @!p1 $0x0  }
0x14: {  	s2 =	sld [smem:$0x3F99];
	s0 =	simm.s32 @p1 $0x1  }
0x15: {  	[smem:$0x3FB6] =	sst s0;
	s0 =	simm.s32 @!p2 $0x0  }
0x16: {  	s3 =	sld [smem:$0x3FDB];
	s0 =	simm.s32 @p2 $0x1  }
0x17: {  	s4 =	simm.s32 $0x1BF5;
	[smem:$0x3FB8] =	sst s0  }
0x18: {  	s0 =	sld [smem:$0x3F9B];
	_ =	swait.ge [sflag:s4], $0x0  }
0x19: {  	s7 =	sld [smem:$0x3F9C]  }
0x1a: {  	s8 =	sadd.s32 $0xFFFFE003, lr  }
0x1b: {  	s9 =	sadd.s32 $0xFFFFFEF7, lr;
	s5 =	simm.s32 $0xFFFFFFFF;
	p2 =	slt.u32 s8, $0xFFFFF086  }
0x1c: {  	p1 =	slt.u32 s9, $0xF7A;
	s5 =	simm.s32 @!p2 $0x0  }
0x1d: {  	s5 =	simm.s32 @p1 $0x1;
	p0 =	seq.s32 s7, s2  }
0x1e: {  	s7 =	smul.u32 @!p0 $0xF7A, s2;
	p2 =	seq.s32 @!p0 s5, $0x0  }
0x1f: {  	s9 =	smul.u32 $0xF7A, s1;
	s8 =	simm.s32 @!p0 $0x1BF5;
	p2 =	por !p2, p0  }
0x20: {  	[sflag:s8] =	ssyncset.s32 @!p0 $0xFFFFF086;
	s6 =	sadd.s32 @!p0 s3, s7;
	s7 =	simm.s32 @!p0 $0x108  }
0x21: {  	s3 =	sadd.s32 s3, s9;
	s6 =	sadd.s32 @!p0 $0x88, s6;
	s7 =	simm.s32 @p2 $0x1082  }
0x22: {  	[simem:s7], [sflag:s8] =	dma.local @!p0 [hbm:s6], $0xF7A  }
0x23: {  	s9 =	sor.u32 $0xD0000000, s2;
	s6 =	simm.s32 $0x108;
	_ =	swait.ge @!p0 [sflag:s8], $0x0  }
0x24: {  	s3 =	sadd.s32 $0x88, s3;
	s6 =	simm.s32 @!p1 $0x1082;
	[sflag:s4] =	ssyncset.s32 $0xFFFFF086  }
0x25: {  	[simem:s6], [sflag:s4] =	dma.local [hbm:s3], $0xF7A  }
0x26: {  	[smem:$0x3F9C] =	sst s1;
	(tag) =	ssettag s2;
	_ =	strace s9  }
0x27: {  	s1 =	sld [smem:$0x3FAC]  }
0x28: {  	s2 =	sld [smem:$0x3FAD]  }
0x29: {  	s4 =	sld [smem:$0x3FAF]  }
0x2a: {  	p0 =	seq.s32 s5, $0x0;
	s5 =	sld [smem:$0x3FB0]  }
0x2b: {  	s6 =	sld [smem:$0x3FB1]  }
0x2c: {  	s7 =	sld [smem:$0x3FB2]  }
0x2d: {  	s3 =	simm.s32 $0x108;
	s8 =	sld [smem:$0x3FB3]  }
0x2e: {  	s3 =	simm.s32 @!p0 $0x1082;
	s9 =	sld [smem:$0x3FB4]  }
0x2f: {  	lr =	sadd.s32 s0, s3;
	s0 =	sld [smem:$0x3FAB]  }
0x30: {  	s3 =	sld [smem:$0x3FAE]  }
0x31: {  	[smem:$0x3FB7] =	sst s10  }
0x32: {  	s10 =	sld [smem:$0x3FB5];
	_ =	sdelay $0x3  }
0x33: {  	p0 =	seq.s32 s10, $0x1;
	s10 =	sld [smem:$0x3FB7];
	_ =	sdelay $0x3  }
0x34: {  	[smem:$0x3FB7] =	sst s10  }
0x35: {  	s10 =	sld [smem:$0x3FB6];
	_ =	sdelay $0x3  }
0x36: {  	p1 =	seq.s32 s10, $0x1;
	s10 =	sld [smem:$0x3FB7];
	_ =	sdelay $0x3  }
0x37: {  	[smem:$0x3FB7] =	sst s10  }
0x38: {  	s10 =	sld [smem:$0x3FB8]  }
0x39: {  	_ = 	snop;
	(pc) =	sbr.ind lr, $3  }
0x3a: {  	_ = 	snop  }
0x3b: {  	_ = 	snop  }
0x3c: {  	p2 =	seq.s32 s10, $0x1;
	s10 =	sld [smem:$0x3FB7]  }
0x3d: {  	_ =	shalt  }
0x3e: {  	_ =	shalt  }
0x3f: {  	_ =	shalt  }
0x40: {  	_ =	shalt  }
0x41: {  	_ =	shalt  }
0x42: {  	_ =	shalt  }
0x43: {  	_ =	shalt  }
0x44: {  	_ =	shalt  }
0x45: {  	_ =	shalt  }
0x46: {  	_ =	shalt  }
0x47: {  	_ =	shalt  }
0x48: {  	_ =	shalt  }
0x49: {  	_ =	shalt  }
0x4a: {  	_ =	shalt  }
0x4b: {  	_ =	shalt  }
0x4c: {  	_ =	shalt  }
0x4d: {  	_ =	shalt  }
0x4e: {  	_ =	shalt  }
0x4f: {  	_ =	shalt  }
0x50: {  	_ =	shalt  }
0x51: {  	_ =	shalt  }
0x52: {  	_ =	shalt  }
0x53: {  	_ =	shalt  }
0x54: {  	_ =	shalt  }
0x55: {  	_ =	shalt  }
0x56: {  	_ =	shalt  }
0x57: {  	_ =	shalt  }
0x58: {  	_ =	shalt  }
0x59: {  	_ =	shalt  }
0x5a: {  	_ =	shalt  }
0x5b: {  	_ =	shalt  }
0x5c: {  	_ =	shalt  }
0x5d: {  	_ =	shalt  }
0x5e: {  	_ =	shalt  }
0x5f: {  	_ =	shalt  }
0x60: {  	_ =	shalt  }
0x61: {  	_ =	shalt  }
0x62: {  	_ =	shalt  }
0x63: {  	_ =	shalt  }
0x64: {  	_ =	shalt  }
0x65: {  	_ =	shalt  }
0x66: {  	_ =	shalt  }
0x67: {  	_ =	shalt  }
0x68: {  	_ =	shalt  }
0x69: {  	_ =	shalt  }
0x6a: {  	_ =	shalt  }
0x6b: {  	_ =	shalt  }
0x6c: {  	_ =	shalt  }
0x6d: {  	_ =	shalt  }
0x6e: {  	_ =	shalt  }
0x6f: {  	_ =	shalt  }
0x70: {  	_ =	shalt  }
0x71: {  	_ =	shalt  }
0x72: {  	_ =	shalt  }
0x73: {  	_ =	shalt  }
0x74: {  	_ =	shalt  }
0x75: {  	_ =	shalt  }
0x76: {  	_ =	shalt  }
0x77: {  	_ =	shalt  }
0x78: {  	_ =	shalt  }
0x79: {  	_ =	shalt  }
0x7a: {  	_ =	shalt  }
0x7b: {  	_ =	shalt  }
0x7c: {  	_ =	shalt  }
0x7d: {  	_ =	shalt  }
0x7e: {  	_ =	shalt  }
0x7f: {  	_ =	shalt  }
0x80: {  	_ =	shalt  }
0x81: {  	_ =	shalt  }
0x82: {  	_ =	shalt  }
0x83: {  	_ =	shalt  }
0x84: {  	_ =	shalt  }
0x85: {  	_ =	shalt  }
0x86: {  	_ =	shalt  }
0x87: {  	_ =	shalt  }
.Lfunc_end0:
.L_simem_size_0:
called_computation_lowered:
.L_overlay_start_0:
0x88: {  	s2 =	sld [smem:$0x3FD9]  }
0x89: {  	s3 =	sld [smem:$0x3FFE];
	_ =	sdelay $0x1  }
0x8a: {  	s1 =	srdreg.scid  }
0x8b: {  	s0 =	sand.u32 $0x1, s1  }
0x8c: {  	s17 =	sshll.u32 s0, $0xA;
	s2 =	sadd.s32 s3, s2  }
0x8d: {  	s2 =	sadd.s32 s2, s17  }
0x8e: {  	[smem:$0x3FC3] =	sst s2  }
0x8f: {  	_ = 	snop  }
0x90: {  	s2 =	sld [smem:$0x3FC8]  }
0x91: {  	s18 =	sld [smem:$0x3FC7]  }
0x92: {  	s4 =	sld [smem:$0x3FC6]  }
0x93: {  	s5 =	sld [smem:$0x3FC5]  }
0x94: {  	s6 =	sld [smem:$0x3FD0];
	(tm) =	ssettm $0x1  }
0x95: {  	s7 =	sld [smem:$0x3FFB];
	_ =	sdelay $0x3  }
0x96: {  	_ =	strace s7  }
0x97: {  	s7 =	sld [smem:$0x3FFC];
	_ =	sdelay $0x3  }
0x98: {  	_ =	strace s7  }
0x99: {  	s7 =	sld [smem:$0x3FFD];
	_ =	sdelay $0x3  }
0x9a: {  	_ =	strace s7  }
0x9b: {  	_ =	strace $0x8FFFFFFF  }
0x9c: {  	s19 =	sld [smem:$0x3FDB];
	_ =	sdelay $0x1  }
0x9d: {  	s8 =	simm.s32 $_scs_section_size  }
0x9e: {  	s9 =	simm.s32 $_size__tile_overlayer_lowered;
	s10 =	simm.s32 $_tile_overlayer_lowered  }
0x9f: {  	s22 =	simm.s32 $0x1BFF;
	s21 =	sshll.u32 s10, $0x1;
	s7 =	sadd.s32 s8, s19  }
0xa0: {  	s11 =	simm.s32 $0x0;
	s20 =	sshll.u32 s9, $0x1;
	s9 =	sadd.s32 s21, s7  }
0xa1: {  	[timem:s11], [sflag:s22] =	dma.local [hbm:s9], s20  }
0xa2: {  	_ =	swait.ge [sflag:s22], s20  }
0xa3: {  	s8 =	ssub.s32 $0x0, s20;
	[sflag:s22] =	ssyncset.done $0x0  }
0xa4: {  	[sflag:s22] =	ssyncadd.s32 s8;
	_ =	sdelay $0x1  }
0xa5: {  	s23 =	simm.s32 $0x1B8B  }
0xa6: {  	_ =	swait.ge [sflag:s23], $0x1  }
0xa7: {  	[sflag:s23] =	ssyncset.done $0x0  }
0xa8: {  	s25 =	simm.s32 $0x1B8E;
	s24 =	sld [smem:$0x3FFE];
	[sflag:s23] =	ssyncadd.s32 $0xFFFFFFFF  }
0xa9: {  	s26 =	simm.s32 $execute0_lowered;
	[smem:$0x3FD2] =	sst s25  }
0xaa: {  	s9 =	sshll.u32 s26, $0x1;
	_ =	strace $0x80000046;
	[dreg:$0x1] =	wrdreg $0xFFFFFFFF  }
0xab: {  	s28 =	simm.s32 $_size_execute0_lowered;
	s7 =	sadd.s32 s7, s9;
	[dreg:$0x0] =	wrdreg $0x0  }
0xac: {  	s9 =	sshll.u32 s28, $0x1;
	[dreg:$0x2] =	wrdreg s7  }
0xad: {  	[dreg:$0x3] =	wrdreg s9  }
0xae: {  	[dreg:$0x4] =	wrdreg $0xC0  }
0xaf: {  	_ =	task [dreg:s11], $0x5FFFF  }
0xb0: {  	[dreg:$0x1] =	wrdreg $0xFFFFFFFF  }
0xb1: {  	[dreg:$0x0] =	wrdreg $0x60  }
0xb2: {  	[dreg:$0x2] =	wrdreg s24  }
0xb3: {  	[dreg:$0x3] =	wrdreg s2  }
0xb4: {  	[dreg:$0x4] =	wrdreg s18  }
0xb5: {  	[dreg:$0x5] =	wrdreg s4  }
0xb6: {  	[dreg:$0x6] =	wrdreg s5  }
0xb7: {  	[dreg:$0x7] =	wrdreg s6  }
0xb8: {  	[dreg:$0x8] =	wrdreg $0x9  }
0xb9: {  	_ =	task.clear_ibuf [dreg:s11], $0x9FFFF;
	_ =	strace $0x90000046  }
0xba: {  	s29 =	simm.s32 $0x9;
	_ =	strace $0x80000048  }
0xbb: {  	_ =	swait.ge [sflag:s29], $0x1  }
0xbc: {  	[sflag:s29] =	ssyncadd.s32 $0xFFFFFFFF  }
0xbd: {  	_ =	strace $0x90000048  }
0xbe: {  	_ =	sfence  }
0xbf: {  	s30 =	sld [smem:$0x0];
	_ =	sdelay $0x2  }
0xc0: {  	s31 =	sshll.u32 s1, $0xD;
	s1 =	sshrl.u32 s1, $0x2  }
0xc1: {  	s3 =	sand.u32 $0x4000, s31;
	s1 =	sadd.s32 s1, s30  }
0xc2: {  	s0 =	sor.u32 s3, s0;
	s1 =	sshll.u32 s1, $0x11  }
0xc3: {  	s0 =	sor.u32 s1, s0  }
0xc4: {  	s0 =	sadd.s32 $0x8F2B, s0  }
0xc5: {  	[sflag:s0] =	ssyncadd.remote.s32 $0x1  }
0xc6: {  	_ =	sfence.sel $0xFFFF  }
0xc7: {  	[dreg:$0x0] =	wrdreg $0xFFFFFFFF;
	(pc) =	sbr.abs _section_cstart, $3  }
0xc8: {  	[dreg:$0x1] =	wrdreg $0xFFFFFFFF  }
0xc9: {  	_ =	task.clear_ibuf [dreg:s11], $0x2FFFF;
	_ =	strace $0x9FFFFFFF  }
0xca: {  	(tm) =	ssettm $0x7FFFFFFF  }
0xcb: {  	_ =	shalt  }
tec
execute0_lowered:
.L_overlay_start_1:
0x0: {  	(tag) =	ssettag $0x1  }
0x1: {  	s1 =	rddreg [dreg:$0x0]  }
0x2: {  	s0 =	rddreg [dreg:$0x1]  }
0x3: {  	v0 =	vimm.s32 $0xFEDCBA98;
	s4 =	rddreg [dreg:$0x4];
	s2 =	srdreg.scid;
	v1 =	vimm.s32 $0x76543210;
	v2 =	vimm.s32 $0xBA98FEDC  }
0x4: {  	s5 =	rddreg [dreg:$0x5];
	s3 =	stileid.u32;
	v3 =	vimm.s32 $0x32107654;
	v4 =	vimm.s32 $0xDCFE98BA;
	v5 =	vimm.s32 $0x54761032  }
0x5: {  	s6 =	simm.s32 $0x0;
	v6 =	vimm.s32 $0xEFCDAB89;
	v7 =	vimm.s32 $0x67452301;
	s11 =	simm.s32 $0x5;
	s12 =	simm.s32 $0xE800  }
0x6: {  	s13 =	simm.s32 $0x14C00;
	s14 =	simm.s32 $0x14C80;
	s15 =	simm.s32 $0x80;
	v0 =	vunpack.c.l.s4.s8 v0;
	v1 =	vunpack.c.l.s4.s8 v1;
	v2 =	vunpack.c.l.s4.s8 v2  }
0x7: {  	s16 =	simm.s32 $0x2000;
	s17 =	simm.s32 $0x48;
	s18 =	simm.s32 $0x400;
	v3 =	vunpack.c.l.s4.s8 v3;
	v4 =	vunpack.c.l.s4.s8 v4;
	v5 =	vunpack.c.l.s4.s8 v5  }
0x8: {  	s19 =	simm.s32 $0x6000;
	s20 =	simm.s32 $0x8400;
	s21 =	simm.s32 $0xC400;
	v6 =	vunpack.c.l.s4.s8 v6;
	v7 =	vunpack.c.l.s4.s8 v7;
	v0 =	vunpack.c.0.s8.s32 v0  }
0x9: {  	s22 =	simm.s32 $0x1;
	s23 =	simm.s32 $0x3;
	s2 =	sand.u32 $0x1, s2;
	v2 =	vunpack.c.0.s8.s32 v2;
	v3 =	vunpack.c.0.s8.s32 v3;
	v4 =	vunpack.c.0.s8.s32 v4  }
0xa: {  	s24 =	simm.s32 $0x2;
	s3 =	sshll.u32 s3, $0x6;
	s7 =	sshll.u32 s2, $0x5;
	v5 =	vunpack.c.0.s8.s32 v5;
	v6 =	vunpack.c.0.s8.s32 v6;
	v7 =	vunpack.c.0.s8.s32 v7  }
0xb: {  	s25 =	simm.s32 $0x4;
	s2 =	ssub.s32 $0x2, s2;
	s8 =	sor.u32 s7, s3;
	v1 =	vunpack.c.0.s8.s32 v1;
	v2 =	vcombine.low v3, v2  }
0xc: {  	s26 =	simm.s32 $0x0;
	s31 =	sshrl.u32 s2, $0x1;
	s3 =	sshll.u32 s8, $0x5;
	v3 =	vcombine.low v5, v4;
	v4 =	vcombine.low v7, v6;
	v0 =	vand.u32 $0xF, v0  }
0xd: {  	[smem:$0x7FF] =	sst s6;
	s2 =	ssub.s32 s2, s31;
	s1 =	sadd.s32 s3, s1;
	v0 =	vcombine.low v0, v1  }
0xe: {  	_ =	strace $0x80000047;
	s10 =	smax.u32 s2, $0x1;
	s9 =	sadd.s32 $0x400, s1;
	v1 =	vand.u32 $0xF, v2;
	v2 =	vand.u32 $0xF, v3;
	v3 =	vand.u32 $0xF, v4  }
.LBB2_1:
0xf: {  	[tilespmem:s6], [sflag:$0x5] =	stream.linear.gather [hbm4b:s9+s6], $0x2000, $0x38;
	[tilespmem:$0x14D00] =	vst v63  }
0x10: {  	_ =	swait.ge [sflag:s11], $0x2000  }
0x11: {  	[sflag:s11] =	ssyncset.done $0x0  }
0x12: {  	[sflag:s11] =	ssyncadd.s32 $0xFFFFE000  }
0x13: {  	s1 =	rddreg [dreg:$0x2]  }
0x14: {  	[tilespmem:s12], [sflag:$0x5] =	stream.linear.gather [hbm4b:s1+s6], $0x6400, $0x38;
	[tilespmem:$0x14D00] =	vst v63  }
0x15: {  	_ =	swait.ge [sflag:s11], $0x6400  }
0x16: {  	[sflag:s11] =	ssyncset.done $0x0  }
0x17: {  	[sflag:s11] =	ssyncadd.s32 $0xFFFF9C00  }
0x18: {  	s31 =	rddreg [dreg:$0x3]  }
0x19: {  	[tilespmem:s13], [sflag:$0x5] =	stream.linear.gather [hbm4b:s31+s6], $0x80, $0x38;
	[tilespmem:$0x14D00] =	vst v63  }
0x1a: {  	_ =	swait.ge [sflag:s11], $0x80  }
0x1b: {  	[sflag:s11] =	ssyncset.done $0x0  }
0x1c: {  	[sflag:s11] =	ssyncadd.s32 $0xFFFFFF80  }
0x1d: {  	[tilespmem:s14], [sflag:$0x5] =	stream.linear.gather [hbm4b:s4+s6], $0x80, $0x38;
	[tilespmem:$0x14D00] =	vst v63  }
0x1e: {  	_ =	swait.ge [sflag:s11], $0x80  }
0x1f: {  	[sflag:s11] =	ssyncset.done $0x0  }
0x20: {  	[sflag:s11] =	ssyncadd.s32 $0xFFFFFF80  }
0x21: {  	v4 =	vld [tilespmem:$0x14C00]  }
0x22: {  	v5 =	vld [tilespmem:$0x14C10]  }
0x23: {  	v6 =	vld [tilespmem:$0x14C20]  }
0x24: {  	v7 =	vld [tilespmem:$0x14C30]  }
0x25: {  	v8 =	vld [tilespmem:$0x14C40]  }
0x26: {  	v9 =	vld [tilespmem:$0x14C50]  }
0x27: {  	v10 =	vld [tilespmem:$0x14C60]  }
0x28: {  	v11 =	vld [tilespmem:$0x14C70]  }
0x29: {  	v12 =	vld [tilespmem:$0x14C80]  }
0x2a: {  	v13 =	vld [tilespmem:$0x14C90]  }
0x2b: {  	v14 =	vld [tilespmem:$0x14CA0]  }
0x2c: {  	v15 =	vld [tilespmem:$0x14CB0]  }
0x2d: {  	v16 =	vld [tilespmem:$0x14CC0]  }
0x2e: {  	v17 =	vld [tilespmem:$0x14CD0]  }
0x2f: {  	v18 =	vld [tilespmem:$0x14CE0]  }
0x30: {  	v19 =	vld [tilespmem:$0x14CF0];
	[tilespmem:s16], [sflag:$0x1] =	stream.indirect.gather [hbm4b:s0+s15], $0x80, s6, s15, $0xb8  }
0x31: {  	s28 =	simm.s32 $0x0  }
0x32: {  	[tilespmem:s19], [sflag:$0x1] =	stream.indirect.gather [hbm4b:s0+s17], $0x80, s18, s17, $0xb8;
	[tilespmem:$0x14D00] =	vst v63  }
.LBB2_2:
0x33: {  	s30 =	sshll.u32 s28, $0x1;
	p0 =	seq.s32 s28, $0x0  }
0x34: {  	s1 =	simm.s32 @!p0 $0x4;
	s29 =	sor.u32 $0x1, s30  }
0x35: {  	s2 =	sshll.u32 s28, $0x9;
	_ =	swait.ge @!p0 [sflag:s1], $0x6400;
	s3 =	sshll.u32 s29, $0x7  }
0x36: {  	s2 =	sand.u32 $0x1800, s2;
	[sflag:s1] =	ssyncset.done @!p0 $0x0;
	s3 =	sand.u32 $0x380, s3  }
0x37: {  	[sflag:s1] =	ssyncadd.s32 @!p0 $0xFFFF9C00;
	s7 =	sor.u32 s3, s2  }
0x38: {  	[tilespmem:s20], [sflag:$0x2] =	stream.indirect.gather [hbm4b:s0+s15], $0x80, s7, s15, $0xb8;
	[tilespmem:$0x14D00] =	vst v63  }
0x39: {  	s1 =	sor.u32 $0x400, s7  }
0x3a: {  	[tilespmem:s21], [sflag:$0x2] =	stream.indirect.gather [hbm4b:s0+s17], $0x80, s1, s17, $0xb8;
	[tilespmem:$0x14D00] =	vst v63  }
0x3b: {  	_ =	swait.ge [sflag:s22], $0x6400  }
0x3c: {  	[sflag:s22] =	ssyncset.done $0x0  }
0x3d: {  	s31 =	simm.s32 $0x0;
	[sflag:s22] =	ssyncadd.s32 $0xFFFF9C00  }
0x3e: {  	v20 =	vld [tilespmem:s31+$0xE820]  }
0x3f: {  	v21 =	vld [tilespmem:s31+$0x2000]  }
0x40: {  	v22 =	vld [tilespmem:s31+$0xE800]  }
0x41: {  	v23 =	vld [tilespmem:s31+$0x2010]  }
0x42: {  	v24 =	vld [tilespmem:s31+$0xE810]  }
0x43: {  	v25 =	vld [tilespmem:s31+$0x2020]  }
0x44: {  	v26 =	vld [tilespmem:s31+$0xE830]  }
0x45: {  	v27 =	vld [tilespmem:s31+$0x2030]  }
0x46: {  	v28 =	vld [tilespmem:s31+$0xE840]  }
0x47: {  	v29 =	vld [tilespmem:s31+$0x2040];
	v30 =	vadd.f32 v22, v21;
	v31 =	vadd.f32 v24, v23  }
0x48: {  	v21 =	vld [tilespmem:s31+$0xE850];
	v32 =	vadd.f32 v20, v25  }
0x49: {  	v20 =	vld [tilespmem:s31+$0x2050];
	v22 =	vmul.f32 v30, v30;
	v23 =	vadd.f32 v31, v30;
	v24 =	vmul.f32 v31, v31  }
0x4a: {  	v27 =	vadd.f32 v26, v27;
	v25 =	vld [tilespmem:s31+$0xE860]  }
0x4b: {  	v26 =	vld [tilespmem:s31+$0x2060];
	v22 =	vadd.f32 v24, v22;
	v24 =	vmul.f32 v32, v32;
	v23 =	vadd.f32 v32, v23  }
0x4c: {  	v33 =	vld [tilespmem:s31+$0x2070];
	v28 =	vadd.f32 v28, v29  }
0x4d: {  	v29 =	vld [tilespmem:s31+$0xE870];
	v34 =	vmul.f32 v27, v27;
	v22 =	vadd.f32 v24, v22;
	v23 =	vadd.f32 v27, v23  }
0x4e: {  	v35 =	vadd.f32 v21, v20  }
0x4f: {  	v20 =	vmul.f32 v28, v28;
	v21 =	vadd.f32 v34, v22;
	v22 =	vadd.f32 v28, v23  }
0x50: {  	v34 =	vadd.f32 v25, v26  }
0x51: {  	v23 =	vmul.f32 v35, v35;
	v20 =	vadd.f32 v20, v21;
	v21 =	vadd.f32 v35, v22  }
0x52: {  	v29 =	vadd.f32 v29, v33  }
0x53: {  	v22 =	vmul.f32 v34, v34;
	v20 =	vadd.f32 v23, v20;
	v21 =	vadd.f32 v34, v21;
	_ =	sdelay $0x1  }
0x54: {  	v23 =	vmul.f32 v29, v29;
	v20 =	vadd.f32 v22, v20;
	v21 =	vadd.f32 v29, v21;
	_ =	sdelay $0x1  }
0x55: {  	v20 =	vadd.f32 v23, v20;
	v22 =	vperm.xlane v21, v0  }
0x56: {  	s7 =	simm.s32 $0x80  }
0x57: {  	v36 =	vld [tilespmem:s7+$0x2010];
	v24 =	vperm.xlane v20, v0;
	v21 =	vadd.f32 v21, v22  }
0x58: {  	v37 =	vld [tilespmem:s7+$0xE810]  }
0x59: {  	v39 =	vld [tilespmem:s7+$0x2020];
	v20 =	vadd.f32 v24, v20;
	v25 =	vperm.xlane v21, v1  }
0x5a: {  	v26 =	vld [tilespmem:s7+$0x2000]  }
0x5b: {  	v23 =	vld [tilespmem:s7+$0xE830];
	v58 =	vperm.xlane v20, v1;
	v21 =	vadd.f32 v21, v25  }
0x5c: {  	v22 =	vld [tilespmem:s7+$0x2030]  }
0x5d: {  	v25 =	vld [tilespmem:s7+$0xE800];
	v33 =	vadd.f32 v58, v20;
	v20 =	vperm.xlane v21, v2  }
0x5e: {  	v24 =	vld [tilespmem:s7+$0xE820]  }
0x5f: {  	v38 =	vperm.xlane v33, v2;
	v41 =	vadd.f32 v21, v20  }
0x60: {  	v40 =	vld [tilespmem:s7+$0xE840]  }
0x61: {  	v42 =	vld [tilespmem:s7+$0x2040];
	v20 =	vadd.f32 v23, v22;
	v23 =	vperm.xlane v41, v3;
	v33 =	vadd.f32 v38, v33  }
0x62: {  	v43 =	vld [tilespmem:s7+$0xE850];
	v22 =	vadd.f32 v37, v36;
	v38 =	vadd.f32 v25, v26  }
0x63: {  	v59 =	vld [tilespmem:s7+$0xE870];
	v21 =	vadd.f32 v24, v39;
	v23 =	vadd.f32 v41, v23;
	v24 =	vperm.xlane v33, v3  }
0x64: {  	v26 =	vld [tilespmem:s7+$0x2070];
	v60 =	vmul.f32 v22, v22;
	v25 =	vmul.f32 v38, v38;
	v37 =	vadd.f32 v22, v38  }
0x65: {  	v44 =	vld [tilespmem:s7+$0x2050];
	v62 =	vmul.f32 $7.812500000e-03, v23;
	v23 =	vadd.f32 v24, v33  }
0x66: {  	v61 =	vld [tilespmem:s7+$0xE860];
	v48 =	vmul.f32 v21, v21;
	v24 =	vadd.f32 v60, v25;
	v37 =	vadd.f32 v21, v37  }
0x67: {  	v63 =	vld [tilespmem:s7+$0x2060];
	v40 =	vadd.f32 v40, v42;
	v23 =	vmul.f32 $7.812500000e-03, v23;
	v49 =	vmul.f32 v62, v62  }
0x68: {  	v50 =	vmul.f32 v20, v20;
	v39 =	vadd.f32 v48, v24;
	v37 =	vadd.f32 v20, v37  }
0x69: {  	v24 =	vadd.f32 v59, v26;
	v26 =	vsub.f32 v23, v49  }
0x6a: {  	v51 =	vmul.f32 v40, v40;
	v25 =	vadd.f32 v43, v44;
	v39 =	vadd.f32 v50, v39  }
0x6b: {  	v37 =	vadd.f32 v40, v37;
	v26 =	vadd.f32 $9.999999960e-13, v26  }
0x6c: {  	v52 =	vmul.f32 v25, v25;
	v23 =	vadd.f32 v61, v63;
	v36 =	vadd.f32 v51, v39  }
0x6d: {  	v37 =	vadd.f32 v25, v37;
	v54 =	vshrl.u32 v26, $0x1;
	v26 =	vmul.f32 $-5.000000000e-01, v26  }
0x6e: {  	s3 =	simm.s32 $0x100;
	v53 =	vmul.f32 v23, v23;
	v33 =	vadd.f32 v52, v36;
	v55 =	vsub.s32 $0x5F3759DF, v54  }
0x6f: {  	v45 =	vld [tilespmem:s3+$0x2030];
	v37 =	vadd.f32 v23, v37;
	v26 =	vmul.f32 v55, v26  }
0x70: {  	v46 =	vld [tilespmem:s3+$0xE840];
	v56 =	vmul.f32 v24, v24;
	v33 =	vadd.f32 v53, v33  }
0x71: {  	v41 =	vld [tilespmem:s3+$0xE850];
	v37 =	vadd.f32 v24, v37;
	v26 =	vmul.f32 v55, v26  }
0x72: {  	v44 =	vld [tilespmem:s3+$0xE830];
	v28 =	vsub.f32 v28, v62;
	v33 =	vadd.f32 v56, v33  }
0x73: {  	v43 =	vld [tilespmem:s3+$0x2040];
	v30 =	vsub.f32 v30, v62;
	v57 =	vperm.xlane v37, v0;
	v26 =	vadd.f32 $1.500000000e+00, v26  }
0x74: {  	v60 =	vld [tilespmem:s3+$0xE800];
	v31 =	vsub.f32 v31, v62;
	v32 =	vsub.f32 v32, v62;
	v47 =	vperm.xlane v33, v0  }
0x75: {  	v27 =	vsub.f32 v27, v62;
	v61 =	vld [tilespmem:s3+$0x2010];
	v37 =	vadd.f32 v37, v57;
	v26 =	vmul.f32 v55, v26  }
0x76: {  	v49 =	vsub.f32 v35, v62;
	v39 =	vld [tilespmem:s3+$0x2050];
	v33 =	vadd.f32 v47, v33  }
0x77: {  	v50 =	vsub.f32 v29, v62;
	v51 =	vld [tilespmem:s3+$0x2020];
	v58 =	vperm.xlane v37, v1;
	v28 =	vmul.f32 v26, v28  }
0x78: {  	v29 =	vsub.f32 v34, v62;
	v36 =	vld [tilespmem:s3+$0xE820];
	v59 =	vperm.xlane v33, v1;
	v52 =	vmul.f32 v26, v30  }
0x79: {  	v54 =	vld [tilespmem:s3+$0xE810];
	v37 =	vadd.f32 v37, v58;
	v53 =	vmul.f32 v26, v31;
	v31 =	vmul.f32 v26, v32  }
0x7a: {  	v48 =	vld [tilespmem:s3+$0x2000];
	v35 =	vmul.f32 v26, v27;
	v30 =	vadd.f32 v44, v45;
	v27 =	vadd.f32 v46, v43  }
0x7b: {  	v55 =	vld [tilespmem:s3+$0x2070];
	v28 =	vmul.f32 v28, v8;
	v62 =	vadd.f32 v59, v33;
	v63 =	vperm.xlane v37, v2  }
0x7c: {  	v44 =	vld [tilespmem:s3+$0xE870];
	v49 =	vmul.f32 v26, v49;
	v57 =	vmul.f32 v31, v6;
	v31 =	vadd.f32 v41, v39  }
0x7d: {  	v56 =	vadd.f32 v28, v16;
	v28 =	vperm.xlane v62, v2;
	v32 =	vadd.f32 v37, v63  }
0x7e: {  	v43 =	vmul.f32 v30, v30;
	v33 =	vadd.f32 v36, v51;
	v36 =	vadd.f32 v54, v61  }
0x7f: {  	v39 =	vld [tilespmem:s3+$0xE860];
	v42 =	vmul.f32 v31, v31;
	v58 =	vperm.xlane v32, v3;
	v59 =	vadd.f32 v28, v62  }
0x80: {  	v63 =	vmul.f32 v52, v4;
	v57 =	vadd.f32 v57, v14;
	v28 =	vadd.f32 v60, v48;
	v60 =	vld [tilespmem:s3+$0x2060]  }
0x81: {  	v61 =	vadd.f32 v32, v58;
	v62 =	vperm.xlane v59, v3;
	v32 =	vadd.f32 v44, v55  }
0x82: {  	v54 =	vmul.f32 v28, v28;
	v55 =	vmul.f32 v36, v36;
	v58 =	vadd.f32 v36, v28  }
0x83: {  	v47 =	vadd.f32 v63, v12;
	v37 =	vmul.f32 $7.812500000e-03, v61;
	v41 =	vadd.f32 v62, v59  }
0x84: {  	v44 =	vadd.f32 v55, v54;
	v59 =	vmul.f32 v33, v33;
	v62 =	vadd.f32 v33, v58  }
0x85: {  	v34 =	vadd.f32 v39, v60;
	v60 =	vmul.f32 $7.812500000e-03, v41;
	v61 =	vmul.f32 v37, v37  }
0x86: {  	v63 =	vmul.f32 v27, v27;
	v48 =	vadd.f32 v59, v44;
	v52 =	vadd.f32 v30, v62  }
0x87: {  	v41 =	vmul.f32 v32, v32;
	v39 =	vsub.f32 v40, v37;
	v46 =	vsub.f32 v60, v61  }
0x88: {  	v44 =	vmul.f32 v53, v5;
	v40 =	vsub.f32 v38, v37;
	v48 =	vadd.f32 v43, v48  }
0x89: {  	[tilespmem:s31+$0x2040] =	vst v56;
	v38 =	vmul.f32 v49, v9;
	v52 =	vadd.f32 v27, v52;
	v46 =	vadd.f32 $9.999999960e-13, v46  }
0x8a: {  	[tilespmem:s31+$0x2020] =	vst v57;
	v45 =	vmul.f32 v34, v34;
	v43 =	vmul.f32 v26, v50;
	v48 =	vadd.f32 v63, v48  }
0x8b: {  	s1 =	simm.s32 $0x600;
	[tilespmem:s31+$0x2000] =	vst v47;
	v49 =	vadd.f32 v31, v52;
	v47 =	vshrl.u32 v46, $0x1;
	v46 =	vmul.f32 $-5.000000000e-01, v46  }
.LBB2_3:
0x8c: {  	s2 =	sshra.s32 s1, $0x2;
	p0 =	sne.s32 s1, $0x18E00;
	s1 =	sadd.s32 $0x200, s1;
	v42 =	vadd.f32 v42, v48;
	v47 =	vsub.s32 $0x5F3759DF, v47;
	v48 =	vsub.f32 v22, v37;
	v22 =	vmovc v36  }
0x8d: {  	v50 =	vsub.f32 v21, v37;
	v21 =	vmovc v33;
	v36 =	vld [tilespmem:s2+$0x2070];
	v49 =	vadd.f32 v34, v49;
	v46 =	vmul.f32 v47, v46  }
0x8e: {  	v35 =	vmul.f32 v35, v7;
	v51 =	vld [tilespmem:s2+$0xE870];
	v33 =	vadd.f32 v45, v42;
	v42 =	vadd.f32 v44, v13  }
0x8f: {  	v44 =	vld [tilespmem:s2+$0xE850];
	v45 =	vadd.f32 v32, v49;
	v46 =	vmul.f32 v47, v46;
	v49 =	vsub.f32 v20, v37;
	v20 =	vmovc v30  }
0x90: {  	v53 =	vsub.f32 v25, v37;
	v52 =	vld [tilespmem:s2+$0x2050];
	v30 =	vadd.f32 v41, v33;
	[tilespmem:s31+$0x2010] =	vst v42;
	v33 =	vmul.f32 v43, v11  }
0x91: {  	v25 =	vmovc v31;
	v41 =	vld [tilespmem:s2+$0xE830];
	v42 =	vperm.xlane v45, v0;
	v43 =	vadd.f32 $1.500000000e+00, v46;
	v46 =	vsub.f32 v24, v37;
	v24 =	vmovc v32  }
0x92: {  	v35 =	vadd.f32 v35, v15;
	v31 =	vld [tilespmem:s2+$0x2030];
	v32 =	vperm.xlane v30, v0;
	v33 =	vadd.f32 v33, v19  }
0x93: {  	v37 =	vsub.f32 v23, v37;
	v23 =	vmovc v34;
	v54 =	vld [tilespmem:s2+$0xE840];
	v42 =	vadd.f32 v45, v42;
	v43 =	vmul.f32 v47, v43  }
0x94: {  	v34 =	vld [tilespmem:s2+$0x2040];
	v30 =	vadd.f32 v32, v30;
	[tilespmem:s31+$0x2030] =	vst v35  }
0x95: {  	v32 =	vld [tilespmem:s2+$0xE820];
	v35 =	vperm.xlane v42, v1;
	v39 =	vmul.f32 v43, v39;
	[tilespmem:s31+$0x2070] =	vst v33  }
0x96: {  	v38 =	vadd.f32 v38, v17;
	v40 =	vmul.f32 v43, v40;
	v45 =	vld [tilespmem:s2+$0x2000];
	v33 =	vperm.xlane v30, v1  }
0x97: {  	v48 =	vmul.f32 v43, v48;
	v47 =	vld [tilespmem:s2+$0x2020];
	v42 =	vadd.f32 v42, v35;
	v39 =	vmul.f32 v39, v8  }
0x98: {  	v35 =	vmul.f32 v43, v49;
	v55 =	vld [tilespmem:s2+$0xE800];
	v56 =	vadd.f32 v33, v30;
	v33 =	vmul.f32 v43, v50;
	[tilespmem:s31+$0x2050] =	vst v38  }
0x99: {  	v30 =	vadd.f32 v41, v31;
	v38 =	vld [tilespmem:s2+$0x2010];
	v31 =	vperm.xlane v42, v2;
	v39 =	vadd.f32 v39, v16  }
0x9a: {  	v57 =	vmul.f32 v26, v29;
	v26 =	vmovc v43;
	v49 =	vadd.f32 v54, v34;
	v41 =	vld [tilespmem:s2+$0xE810];
	v34 =	vperm.xlane v56, v2  }
0x9b: {  	v43 =	vmul.f32 v30, v30;
	v54 =	vmul.f32 v33, v6;
	v50 =	vadd.f32 v42, v31;
	[tilespmem:s7+$0x2040] =	vst v39  }
0x9c: {  	v29 =	vmovc v37;
	v31 =	vadd.f32 v44, v52;
	v39 =	vmul.f32 v57, v10;
	v33 =	vadd.f32 v32, v47  }
0x9d: {  	v32 =	vadd.f32 v51, v36;
	v34 =	vadd.f32 v34, v56;
	v44 =	vld [tilespmem:s2+$0xE860];
	v37 =	vperm.xlane v50, v3  }
0x9e: {  	v47 =	vadd.f32 v55, v45;
	v42 =	vmul.f32 v31, v31;
	v39 =	vadd.f32 v39, v18;
	v45 =	vld [tilespmem:s2+$0x2060]  }
0x9f: {  	v36 =	vadd.f32 v41, v38;
	v37 =	vadd.f32 v50, v37;
	v38 =	vperm.xlane v34, v3  }
0xa0: {  	v40 =	vmul.f32 v40, v4;
	v41 =	vmul.f32 v32, v32;
	v50 =	vadd.f32 v54, v14;
	[tilespmem:s31+$0x2060] =	vst v39;
	s31 =	smov.u32 s7;
	s7 =	smov.u32 s3;
	s3 =	smov.u32 s2  }
0xa1: {  	v39 =	vmul.f32 v47, v47;
	v51 =	vadd.f32 v36, v47;
	v52 =	vmul.f32 v36, v36  }
0xa2: {  	v40 =	vadd.f32 v40, v12;
	v37 =	vmul.f32 $7.812500000e-03, v37;
	v38 =	vadd.f32 v38, v34;
	[tilespmem:s31+$0x2020] =	vst v50  }
0xa3: {  	v50 =	vmul.f32 v33, v33;
	v39 =	vadd.f32 v52, v39;
	v34 =	vadd.f32 v44, v45  }
0xa4: {  	v44 =	vadd.f32 v33, v51;
	v38 =	vmul.f32 $7.812500000e-03, v38;
	v51 =	vmul.f32 v37, v37;
	[tilespmem:s31+$0x2000] =	vst v40  }
0xa5: {  	v40 =	vmul.f32 v49, v49;
	v39 =	vadd.f32 v50, v39;
	v45 =	vmul.f32 v34, v34  }
.Ltmp0:
0xa6: {  	v50 =	vadd.f32 v30, v44;
	v38 =	vsub.f32 v38, v51;
	v44 =	vmul.f32 v48, v5;
	(pc) =	sbr.rel @p0 .LBB2_3-.Ltmp0, $4  }
0xa7: {  	v51 =	vmul.f32 v26, v53;
	v48 =	vadd.f32 v43, v39;
	v39 =	vsub.f32 v27, v37;
	v27 =	vmovc v49  }
0xa8: {  	v43 =	vmul.f32 v26, v46;
	v49 =	vadd.f32 v27, v50;
	v50 =	vadd.f32 $9.999999960e-13, v38  }
0xa9: {  	v38 =	vmul.f32 v51, v9;
	v48 =	vadd.f32 v40, v48;
	v40 =	vsub.f32 v28, v37;
	v28 =	vmovc v47  }
0xaa: {  	v49 =	vadd.f32 v31, v49;
	v47 =	vshrl.u32 v50, $0x1;
	v46 =	vmul.f32 $-5.000000000e-01, v50  }
0xab: {  	_ = 	snop  }
0xac: {  	v42 =	vadd.f32 v42, v48;
	v56 =	vadd.f32 v34, v49;
	_ =	sdelay $0x1  }
0xad: {  	v42 =	vadd.f32 v45, v42;
	v57 =	vadd.f32 v32, v56;
	_ =	sdelay $0x1  }
0xae: {  	v41 =	vadd.f32 v41, v42;
	v58 =	vperm.xlane v57, v0;
	_ =	sdelay $0x1  }
0xaf: {  	v59 =	vperm.xlane v41, v0;
	v42 =	vadd.f32 v57, v58;
	_ =	sdelay $0x1  }
0xb0: {  	v41 =	vadd.f32 v59, v41;
	v45 =	vperm.xlane v42, v1;
	_ =	sdelay $0x1  }
0xb1: {  	v48 =	vperm.xlane v41, v1;
	v42 =	vadd.f32 v42, v45;
	_ =	sdelay $0x1  }
0xb2: {  	v41 =	vadd.f32 v48, v41;
	v45 =	vperm.xlane v42, v2;
	_ =	sdelay $0x1  }
0xb3: {  	v48 =	vperm.xlane v41, v2;
	v42 =	vadd.f32 v42, v45;
	_ =	sdelay $0x1  }
0xb4: {  	v47 =	vsub.s32 $0x5F3759DF, v47;
	v41 =	vadd.f32 v48, v41;
	v45 =	vperm.xlane v42, v3  }
0xb5: {  	v46 =	vmul.f32 v47, v46  }
0xb6: {  	v60 =	vperm.xlane v41, v3;
	v42 =	vadd.f32 v42, v45  }
0xb7: {  	v22 =	vsub.f32 v22, v37;
	v21 =	vsub.f32 v21, v37;
	v46 =	vmul.f32 v47, v46  }
0xb8: {  	v44 =	vadd.f32 v44, v13;
	v41 =	vadd.f32 v60, v41;
	v42 =	vmul.f32 $7.812500000e-03, v42  }
0xb9: {  	v35 =	vmul.f32 v35, v7;
	v20 =	vsub.f32 v20, v37;
	v61 =	vadd.f32 $1.500000000e+00, v46  }
0xba: {  	v25 =	vsub.f32 v25, v37;
	v41 =	vmul.f32 $7.812500000e-03, v41;
	v62 =	vmul.f32 v42, v42  }
0xbb: {  	v24 =	vsub.f32 v24, v37;
	v26 =	vmul.f32 v26, v29;
	v45 =	vmul.f32 v47, v61  }
0xbc: {  	v43 =	vmul.f32 v43, v11;
	v23 =	vsub.f32 v23, v37;
	v41 =	vsub.f32 v41, v62  }
0xbd: {  	v38 =	vadd.f32 v38, v17;
	v26 =	vmul.f32 v26, v10;
	v39 =	vmul.f32 v45, v39  }
0xbe: {  	v40 =	vmul.f32 v45, v40;
	v22 =	vmul.f32 v45, v22;
	v41 =	vadd.f32 $9.999999960e-13, v41  }
0xbf: {  	v35 =	vadd.f32 v35, v15;
	v21 =	vmul.f32 v45, v21;
	v20 =	vmul.f32 v45, v20  }
0xc0: {  	v25 =	vmul.f32 v45, v25;
	v29 =	vshrl.u32 v41, $0x1;
	v63 =	vmul.f32 $-5.000000000e-01, v41  }
0xc1: {  	v24 =	vmul.f32 v45, v24;
	v23 =	vmul.f32 v45, v23;
	v29 =	vsub.s32 $0x5F3759DF, v29  }
0xc2: {  	v43 =	vadd.f32 v43, v19;
	v39 =	vmul.f32 v39, v8;
	v37 =	vmul.f32 v29, v63  }
0xc3: {  	[tilespmem:s31+$0x2010] =	vst v44;
	v26 =	vadd.f32 v26, v18;
	v21 =	vmul.f32 v21, v6;
	v40 =	vmul.f32 v40, v4  }
0xc4: {  	[tilespmem:s31+$0x2050] =	vst v38;
	v27 =	vsub.f32 v27, v42;
	v28 =	vsub.f32 v28, v42;
	v37 =	vmul.f32 v29, v37  }
0xc5: {  	[tilespmem:s31+$0x2030] =	vst v35;
	v22 =	vmul.f32 v22, v5;
	v36 =	vsub.f32 v36, v42;
	v33 =	vsub.f32 v33, v42  }
0xc6: {  	[tilespmem:s31+$0x2070] =	vst v43;
	v25 =	vmul.f32 v25, v9;
	v39 =	vadd.f32 v39, v16;
	v37 =	vadd.f32 $1.500000000e+00, v37  }
0xc7: {  	[tilespmem:s31+$0x2060] =	vst v26;
	v20 =	vmul.f32 v20, v7;
	v26 =	vsub.f32 v30, v42;
	v21 =	vadd.f32 v21, v14  }
0xc8: {  	v24 =	vmul.f32 v24, v11;
	v44 =	vadd.f32 v40, v12;
	[tilespmem:s7+$0x2040] =	vst v39;
	v29 =	vmul.f32 v29, v37  }
0xc9: {  	v30 =	vsub.f32 v32, v42;
	v23 =	vmul.f32 v23, v10;
	v20 =	vadd.f32 v20, v15;
	[tilespmem:s7+$0x2020] =	vst v21  }
0xca: {  	v22 =	vadd.f32 v22, v13;
	v24 =	vadd.f32 v24, v19;
	[tilespmem:s7+$0x2000] =	vst v44;
	v27 =	vmul.f32 v29, v27  }
0xcb: {  	v25 =	vadd.f32 v25, v17;
	v23 =	vadd.f32 v23, v18;
	[tilespmem:s7+$0x2030] =	vst v20;
	v20 =	vmul.f32 v29, v28  }
0xcc: {  	v21 =	vsub.f32 v31, v42;
	[tilespmem:s7+$0x2010] =	vst v22;
	v31 =	vmul.f32 v29, v33;
	v27 =	vmul.f32 v27, v8  }
0xcd: {  	v22 =	vsub.f32 v34, v42;
	[tilespmem:s7+$0x2070] =	vst v24;
	v24 =	vmul.f32 v29, v36;
	v20 =	vmul.f32 v20, v4  }
0xce: {  	[tilespmem:s7+$0x2050] =	vst v25;
	v26 =	vmul.f32 v29, v26;
	v28 =	vmul.f32 v31, v6;
	v27 =	vadd.f32 v27, v16  }
0xcf: {  	[tilespmem:s7+$0x2060] =	vst v23;
	v21 =	vmul.f32 v29, v21;
	v24 =	vmul.f32 v24, v5;
	v20 =	vadd.f32 v20, v12  }
0xd0: {  	v22 =	vmul.f32 v29, v22;
	v23 =	vmul.f32 v26, v7;
	v25 =	vadd.f32 v28, v14;
	[tilespmem:s3+$0x2040] =	vst v27  }
0xd1: {  	v24 =	vadd.f32 v24, v13;
	v27 =	vmul.f32 v29, v30;
	[tilespmem:s3+$0x2000] =	vst v20;
	v20 =	vmul.f32 v21, v9  }
0xd2: {  	v22 =	vmul.f32 v22, v10;
	[tilespmem:s3+$0x2020] =	vst v25;
	v21 =	vadd.f32 v23, v15  }
0xd3: {  	[tilespmem:s3+$0x2010] =	vst v24;
	v25 =	vmul.f32 v27, v11;
	v20 =	vadd.f32 v20, v17  }
0xd4: {  	s1 =	sadd.s32 s8, s30;
	[tilespmem:s3+$0x2030] =	vst v21;
	v21 =	vadd.f32 v22, v18  }
0xd5: {  	s1 =	smul.u32 $0xC80, s1;
	v23 =	vadd.f32 v25, v19;
	[tilespmem:s3+$0x2050] =	vst v20  }
0xd6: {  	[tilespmem:s3+$0x2060] =	vst v21  }
0xd7: {  	p0 =	seq.s32 s28, $0xF;
	s1 =	sadd.s32 s5, s1;
	[tilespmem:s3+$0x2070] =	vst v23  }
0xd8: {  	[hbm4b:s1+s6] =	stream.linear.scatter [tilespmem:s16], [sflag:$0x3], $0x6400, $0x38;
	[tilespmem:$0x14D00] =	vst v63  }
0xd9: {  	s3 =	simm.s32 @!p0 $0x2000;
	s1 =	sadd.s32 @!p0 $0x2, s30  }
0xda: {  	_ =	swait.ge [sflag:s23], $0x6400;
	s2 =	sshll.u32 @!p0 s1, $0x8;
	s1 =	sshll.u32 @!p0 s1, $0x7  }
0xdb: {  	[sflag:s23] =	ssyncset.done $0x0;
	s2 =	sand.u32 @!p0 $0x3800, s2;
	s1 =	sand.u32 @!p0 $0x300, s1  }
0xdc: {  	[sflag:s23] =	ssyncadd.s32 $0xFFFF9C00;
	s1 =	sor.u32 @!p0 s1, s2;
	s2 =	simm.s32 @!p0 $0x80  }
0xdd: {  	[tilespmem:s3], [sflag:$0x1] =	stream.indirect.gather @!p0 [hbm4b:s0+s2], $0x80, s1, s2, $0xb8;
	[tilespmem:$0x14D00] =	vst v63  }
0xde: {  	s1 =	sor.u32 @!p0 $0x400, s1;
	s2 =	simm.s32 @!p0 $0x48;
	s3 =	simm.s32 @!p0 $0x6000  }
0xdf: {  	[tilespmem:s3], [sflag:$0x1] =	stream.indirect.gather @!p0 [hbm4b:s0+s2], $0x80, s1, s2, $0xb8;
	[tilespmem:$0x14D00] =	vst v63  }
0xe0: {  	_ =	swait.ge [sflag:s24], $0x6400  }
0xe1: {  	[sflag:s24] =	ssyncset.done $0x0  }
0xe2: {  	s30 =	simm.s32 $0x0;
	[sflag:s24] =	ssyncadd.s32 $0xFFFF9C00  }
0xe3: {  	v20 =	vld [tilespmem:s30+$0xE820]  }
0xe4: {  	v21 =	vld [tilespmem:s30+$0x8400]  }
0xe5: {  	v22 =	vld [tilespmem:s30+$0xE800]  }
0xe6: {  	v23 =	vld [tilespmem:s30+$0x8410]  }
0xe7: {  	v24 =	vld [tilespmem:s30+$0xE810]  }
0xe8: {  	v25 =	vld [tilespmem:s30+$0x8420]  }
0xe9: {  	v26 =	vld [tilespmem:s30+$0xE830]  }
0xea: {  	v27 =	vld [tilespmem:s30+$0x8430]  }
0xeb: {  	v28 =	vld [tilespmem:s30+$0xE840]  }
0xec: {  	v29 =	vld [tilespmem:s30+$0x8440];
	v30 =	vadd.f32 v22, v21;
	v31 =	vadd.f32 v24, v23  }
0xed: {  	v21 =	vld [tilespmem:s30+$0xE850];
	v32 =	vadd.f32 v20, v25  }
0xee: {  	v20 =	vld [tilespmem:s30+$0x8450];
	v22 =	vmul.f32 v30, v30;
	v23 =	vadd.f32 v31, v30;
	v24 =	vmul.f32 v31, v31  }
0xef: {  	v27 =	vadd.f32 v26, v27;
	v25 =	vld [tilespmem:s30+$0xE860]  }
0xf0: {  	v26 =	vld [tilespmem:s30+$0x8460];
	v22 =	vadd.f32 v24, v22;
	v24 =	vmul.f32 v32, v32;
	v23 =	vadd.f32 v32, v23  }
0xf1: {  	v46 =	vld [tilespmem:s30+$0x8470];
	v28 =	vadd.f32 v28, v29  }
0xf2: {  	v29 =	vld [tilespmem:s30+$0xE870];
	v47 =	vmul.f32 v27, v27;
	v22 =	vadd.f32 v24, v22;
	v23 =	vadd.f32 v27, v23  }
0xf3: {  	v35 =	vadd.f32 v21, v20  }
0xf4: {  	v20 =	vmul.f32 v28, v28;
	v21 =	vadd.f32 v47, v22;
	v22 =	vadd.f32 v28, v23  }
0xf5: {  	v34 =	vadd.f32 v25, v26  }
0xf6: {  	v23 =	vmul.f32 v35, v35;
	v20 =	vadd.f32 v20, v21;
	v21 =	vadd.f32 v35, v22  }
0xf7: {  	v29 =	vadd.f32 v29, v46  }
0xf8: {  	v22 =	vmul.f32 v34, v34;
	v20 =	vadd.f32 v23, v20;
	v21 =	vadd.f32 v34, v21;
	_ =	sdelay $0x1  }
0xf9: {  	v23 =	vmul.f32 v29, v29;
	v20 =	vadd.f32 v22, v20;
	v21 =	vadd.f32 v29, v21;
	_ =	sdelay $0x1  }
0xfa: {  	v20 =	vadd.f32 v23, v20;
	v22 =	vperm.xlane v21, v0  }
0xfb: {  	s7 =	simm.s32 $0x80  }
0xfc: {  	v49 =	vld [tilespmem:s7+$0x8410];
	v24 =	vperm.xlane v20, v0;
	v21 =	vadd.f32 v21, v22  }
0xfd: {  	v50 =	vld [tilespmem:s7+$0xE810]  }
0xfe: {  	v51 =	vld [tilespmem:s7+$0x8420];
	v20 =	vadd.f32 v24, v20;
	v25 =	vperm.xlane v21, v1  }
0xff: {  	v26 =	vld [tilespmem:s7+$0x8400]  }
0x100: {  	v23 =	vld [tilespmem:s7+$0xE830];
	v48 =	vperm.xlane v20, v1;
	v21 =	vadd.f32 v21, v25  }
0x101: {  	v22 =	vld [tilespmem:s7+$0x8430]  }
0x102: {  	v25 =	vld [tilespmem:s7+$0xE800];
	v33 =	vadd.f32 v48, v20;
	v20 =	vperm.xlane v21, v2  }
0x103: {  	v24 =	vld [tilespmem:s7+$0xE820]  }
0x104: {  	v52 =	vld [tilespmem:s7+$0xE840];
	v53 =	vperm.xlane v33, v2;
	v54 =	vadd.f32 v21, v20  }
0x105: {  	v55 =	vld [tilespmem:s7+$0x8440]  }
0x106: {  	v56 =	vld [tilespmem:s7+$0xE850];
	v20 =	vadd.f32 v23, v22;
	v23 =	vperm.xlane v54, v3;
	v33 =	vadd.f32 v53, v33  }
0x107: {  	v57 =	vld [tilespmem:s7+$0x8450];
	v22 =	vadd.f32 v50, v49;
	v38 =	vadd.f32 v25, v26  }
0x108: {  	v58 =	vld [tilespmem:s7+$0xE870];
	v21 =	vadd.f32 v24, v51;
	v23 =	vadd.f32 v54, v23;
	v24 =	vperm.xlane v33, v3  }
0x109: {  	v26 =	vld [tilespmem:s7+$0x8470];
	v59 =	vmul.f32 v22, v22;
	v25 =	vmul.f32 v38, v38;
	v37 =	vadd.f32 v22, v38  }
0x10a: {  	v60 =	vld [tilespmem:s7+$0xE860];
	v40 =	vadd.f32 v52, v55;
	v61 =	vmul.f32 $7.812500000e-03, v23;
	v23 =	vadd.f32 v24, v33  }
0x10b: {  	v62 =	vld [tilespmem:s7+$0x8460];
	v63 =	vmul.f32 v21, v21;
	v37 =	vadd.f32 v21, v37;
	v24 =	vadd.f32 v59, v25  }
0x10c: {  	v25 =	vadd.f32 v56, v57;
	v23 =	vmul.f32 $7.812500000e-03, v23;
	v48 =	vmul.f32 v61, v61  }
0x10d: {  	v49 =	vmul.f32 v20, v20;
	v37 =	vadd.f32 v20, v37;
	v39 =	vadd.f32 v63, v24  }
0x10e: {  	v24 =	vadd.f32 v58, v26;
	v26 =	vsub.f32 v23, v48  }
0x10f: {  	v50 =	vmul.f32 v40, v40;
	v37 =	vadd.f32 v40, v37;
	v39 =	vadd.f32 v49, v39  }
0x110: {  	v23 =	vadd.f32 v60, v62;
	v26 =	vadd.f32 $9.999999960e-13, v26  }
0x111: {  	v51 =	vmul.f32 v25, v25;
	v37 =	vadd.f32 v25, v37;
	v36 =	vadd.f32 v50, v39  }
0x112: {  	s3 =	simm.s32 $0x100;
	v52 =	vmul.f32 v23, v23;
	v53 =	vshrl.u32 v26, $0x1;
	v26 =	vmul.f32 $-5.000000000e-01, v26  }
0x113: {  	v41 =	vld [tilespmem:s3+$0xE850];
	v37 =	vadd.f32 v23, v37;
	v33 =	vadd.f32 v51, v36;
	v54 =	vsub.s32 $0x5F3759DF, v53  }
0x114: {  	v44 =	vld [tilespmem:s3+$0xE830];
	v26 =	vmul.f32 v54, v26  }
0x115: {  	v45 =	vld [tilespmem:s3+$0x8430];
	v55 =	vmul.f32 v24, v24;
	v37 =	vadd.f32 v24, v37;
	v33 =	vadd.f32 v52, v33  }
0x116: {  	v43 =	vld [tilespmem:s3+$0x8440];
	v28 =	vsub.f32 v28, v61;
	v30 =	vsub.f32 v30, v61;
	v26 =	vmul.f32 v54, v26  }
0x117: {  	v46 =	vld [tilespmem:s3+$0xE840];
	v31 =	vsub.f32 v31, v61;
	v56 =	vperm.xlane v37, v0;
	v33 =	vadd.f32 v55, v33  }
0x118: {  	v32 =	vsub.f32 v32, v61;
	v48 =	vld [tilespmem:s3+$0x8400];
	v26 =	vadd.f32 $1.500000000e+00, v26  }
0x119: {  	v27 =	vsub.f32 v27, v61;
	v60 =	vld [tilespmem:s3+$0xE800];
	v37 =	vadd.f32 v37, v56;
	v57 =	vperm.xlane v33, v0  }
0x11a: {  	v49 =	vsub.f32 v35, v61;
	v39 =	vld [tilespmem:s3+$0x8450];
	v50 =	vsub.f32 v29, v61;
	v26 =	vmul.f32 v54, v26  }
0x11b: {  	v29 =	vsub.f32 v34, v61;
	v61 =	vld [tilespmem:s3+$0x8410];
	v58 =	vperm.xlane v37, v1;
	v33 =	vadd.f32 v57, v33  }
0x11c: {  	v36 =	vld [tilespmem:s3+$0xE820];
	v28 =	vmul.f32 v26, v28  }
0x11d: {  	v51 =	vld [tilespmem:s3+$0x8420];
	v37 =	vadd.f32 v37, v58;
	v59 =	vperm.xlane v33, v1;
	v52 =	vmul.f32 v26, v30  }
0x11e: {  	v54 =	vld [tilespmem:s3+$0xE810];
	v53 =	vmul.f32 v26, v31;
	v31 =	vmul.f32 v26, v32  }
0x11f: {  	v55 =	vld [tilespmem:s3+$0x8470];
	v35 =	vmul.f32 v26, v27;
	v30 =	vadd.f32 v44, v45;
	v63 =	vperm.xlane v37, v2  }
0x120: {  	v44 =	vld [tilespmem:s3+$0xE870];
	v27 =	vadd.f32 v46, v43;
	v28 =	vmul.f32 v28, v8;
	v62 =	vadd.f32 v59, v33  }
0x121: {  	v49 =	vmul.f32 v26, v49;
	v57 =	vmul.f32 v31, v6;
	v32 =	vadd.f32 v37, v63  }
0x122: {  	v31 =	vadd.f32 v41, v39;
	v56 =	vadd.f32 v28, v16;
	v28 =	vperm.xlane v62, v2  }
0x123: {  	v33 =	vadd.f32 v36, v51;
	v39 =	vld [tilespmem:s3+$0xE860];
	v36 =	vadd.f32 v54, v61;
	v58 =	vperm.xlane v32, v3  }
0x124: {  	v63 =	vmul.f32 v52, v4;
	v59 =	vadd.f32 v28, v62;
	v28 =	vadd.f32 v60, v48;
	v60 =	vld [tilespmem:s3+$0x8460]  }
0x125: {  	v61 =	vadd.f32 v32, v58;
	v32 =	vadd.f32 v44, v55;
	v55 =	vmul.f32 v36, v36  }
0x126: {  	v57 =	vadd.f32 v57, v14;
	v62 =	vperm.xlane v59, v3;
	v54 =	vmul.f32 v28, v28  }
0x127: {  	v43 =	vmul.f32 v30, v30;
	v47 =	vadd.f32 v63, v12;
	v58 =	vadd.f32 v36, v28  }
0x128: {  	v37 =	vmul.f32 $7.812500000e-03, v61;
	v41 =	vadd.f32 v62, v59;
	v44 =	vadd.f32 v55, v54  }
0x129: {  	v59 =	vmul.f32 v33, v33;
	v62 =	vadd.f32 v33, v58;
	v34 =	vadd.f32 v39, v60  }
0x12a: {  	v61 =	vmul.f32 v37, v37;
	v39 =	vsub.f32 v40, v37;
	v60 =	vmul.f32 $7.812500000e-03, v41  }
0x12b: {  	v42 =	vmul.f32 v31, v31;
	v40 =	vsub.f32 v38, v37;
	v48 =	vadd.f32 v59, v44  }
0x12c: {  	v63 =	vmul.f32 v27, v27;
	v52 =	vadd.f32 v30, v62;
	v46 =	vsub.f32 v60, v61  }
0x12d: {  	v38 =	vmul.f32 v49, v9;
	v41 =	vmul.f32 v32, v32;
	v48 =	vadd.f32 v43, v48  }
0x12e: {  	[tilespmem:s30+$0x8440] =	vst v56;
	v44 =	vmul.f32 v53, v5;
	v52 =	vadd.f32 v27, v52;
	v46 =	vadd.f32 $9.999999960e-13, v46  }
0x12f: {  	[tilespmem:s30+$0x8420] =	vst v57;
	v45 =	vmul.f32 v34, v34;
	v43 =	vmul.f32 v26, v50;
	v48 =	vadd.f32 v63, v48  }
0x130: {  	s1 =	simm.s32 $0x600;
	[tilespmem:s30+$0x8400] =	vst v47;
	v49 =	vadd.f32 v31, v52;
	v47 =	vshrl.u32 v46, $0x1;
	v46 =	vmul.f32 $-5.000000000e-01, v46  }
.LBB2_5:
0x131: {  	s2 =	sshra.s32 s1, $0x2;
	p0 =	sne.s32 s1, $0x18E00;
	s1 =	sadd.s32 $0x200, s1;
	v42 =	vadd.f32 v42, v48;
	v47 =	vsub.s32 $0x5F3759DF, v47;
	v48 =	vsub.f32 v22, v37;
	v22 =	vmovc v36  }
0x132: {  	v50 =	vsub.f32 v21, v37;
	v21 =	vmovc v33;
	v36 =	vld [tilespmem:s2+$0x8470];
	v49 =	vadd.f32 v34, v49;
	v46 =	vmul.f32 v47, v46  }
0x133: {  	v35 =	vmul.f32 v35, v7;
	v51 =	vld [tilespmem:s2+$0xE870];
	v33 =	vadd.f32 v45, v42;
	v42 =	vadd.f32 v44, v13  }
0x134: {  	v44 =	vld [tilespmem:s2+$0xE850];
	v45 =	vadd.f32 v32, v49;
	v46 =	vmul.f32 v47, v46;
	v49 =	vsub.f32 v20, v37;
	v20 =	vmovc v30  }
0x135: {  	v53 =	vsub.f32 v25, v37;
	v52 =	vld [tilespmem:s2+$0x8450];
	v30 =	vadd.f32 v41, v33;
	[tilespmem:s30+$0x8410] =	vst v42;
	v33 =	vmul.f32 v43, v11  }
0x136: {  	v25 =	vmovc v31;
	v41 =	vld [tilespmem:s2+$0xE830];
	v42 =	vperm.xlane v45, v0;
	v43 =	vadd.f32 $1.500000000e+00, v46;
	v46 =	vsub.f32 v24, v37;
	v24 =	vmovc v32  }
0x137: {  	v35 =	vadd.f32 v35, v15;
	v31 =	vld [tilespmem:s2+$0x8430];
	v32 =	vperm.xlane v30, v0;
	v33 =	vadd.f32 v33, v19  }
0x138: {  	v37 =	vsub.f32 v23, v37;
	v23 =	vmovc v34;
	v54 =	vld [tilespmem:s2+$0xE840];
	v42 =	vadd.f32 v45, v42;
	v43 =	vmul.f32 v47, v43  }
0x139: {  	v34 =	vld [tilespmem:s2+$0x8440];
	v30 =	vadd.f32 v32, v30;
	[tilespmem:s30+$0x8430] =	vst v35  }
0x13a: {  	v32 =	vld [tilespmem:s2+$0xE820];
	v35 =	vperm.xlane v42, v1;
	v39 =	vmul.f32 v43, v39;
	[tilespmem:s30+$0x8470] =	vst v33  }
0x13b: {  	v38 =	vadd.f32 v38, v17;
	v40 =	vmul.f32 v43, v40;
	v45 =	vld [tilespmem:s2+$0x8400];
	v33 =	vperm.xlane v30, v1  }
0x13c: {  	v48 =	vmul.f32 v43, v48;
	v47 =	vld [tilespmem:s2+$0x8420];
	v42 =	vadd.f32 v42, v35;
	v39 =	vmul.f32 v39, v8  }
0x13d: {  	v35 =	vmul.f32 v43, v49;
	v55 =	vld [tilespmem:s2+$0xE800];
	v56 =	vadd.f32 v33, v30;
	v33 =	vmul.f32 v43, v50;
	[tilespmem:s30+$0x8450] =	vst v38  }
0x13e: {  	v30 =	vadd.f32 v41, v31;
	v38 =	vld [tilespmem:s2+$0x8410];
	v31 =	vperm.xlane v42, v2;
	v39 =	vadd.f32 v39, v16  }
0x13f: {  	v57 =	vmul.f32 v26, v29;
	v26 =	vmovc v43;
	v49 =	vadd.f32 v54, v34;
	v41 =	vld [tilespmem:s2+$0xE810];
	v34 =	vperm.xlane v56, v2  }
0x140: {  	v43 =	vmul.f32 v30, v30;
	v54 =	vmul.f32 v33, v6;
	v50 =	vadd.f32 v42, v31;
	[tilespmem:s7+$0x8440] =	vst v39  }
0x141: {  	v29 =	vmovc v37;
	v31 =	vadd.f32 v44, v52;
	v39 =	vmul.f32 v57, v10;
	v33 =	vadd.f32 v32, v47  }
0x142: {  	v32 =	vadd.f32 v51, v36;
	v34 =	vadd.f32 v34, v56;
	v44 =	vld [tilespmem:s2+$0xE860];
	v37 =	vperm.xlane v50, v3  }
0x143: {  	v47 =	vadd.f32 v55, v45;
	v42 =	vmul.f32 v31, v31;
	v39 =	vadd.f32 v39, v18;
	v45 =	vld [tilespmem:s2+$0x8460]  }
0x144: {  	v36 =	vadd.f32 v41, v38;
	v37 =	vadd.f32 v50, v37;
	v38 =	vperm.xlane v34, v3  }
0x145: {  	v40 =	vmul.f32 v40, v4;
	v41 =	vmul.f32 v32, v32;
	v50 =	vadd.f32 v54, v14;
	[tilespmem:s30+$0x8460] =	vst v39;
	s30 =	smov.u32 s7;
	s7 =	smov.u32 s3;
	s3 =	smov.u32 s2  }
0x146: {  	v39 =	vmul.f32 v47, v47;
	v51 =	vadd.f32 v36, v47;
	v52 =	vmul.f32 v36, v36  }
0x147: {  	v40 =	vadd.f32 v40, v12;
	v37 =	vmul.f32 $7.812500000e-03, v37;
	v38 =	vadd.f32 v38, v34;
	[tilespmem:s30+$0x8420] =	vst v50  }
0x148: {  	v50 =	vmul.f32 v33, v33;
	v39 =	vadd.f32 v52, v39;
	v34 =	vadd.f32 v44, v45  }
0x149: {  	v44 =	vadd.f32 v33, v51;
	v38 =	vmul.f32 $7.812500000e-03, v38;
	v51 =	vmul.f32 v37, v37;
	[tilespmem:s30+$0x8400] =	vst v40  }
0x14a: {  	v40 =	vmul.f32 v49, v49;
	v39 =	vadd.f32 v50, v39;
	v45 =	vmul.f32 v34, v34  }
.Ltmp1:
0x14b: {  	v50 =	vadd.f32 v30, v44;
	v38 =	vsub.f32 v38, v51;
	v44 =	vmul.f32 v48, v5;
	(pc) =	sbr.rel @p0 .LBB2_5-.Ltmp1, $4  }
0x14c: {  	v51 =	vmul.f32 v26, v53;
	v48 =	vadd.f32 v43, v39;
	v39 =	vsub.f32 v27, v37;
	v27 =	vmovc v49  }
0x14d: {  	v43 =	vmul.f32 v26, v46;
	v49 =	vadd.f32 v27, v50;
	v50 =	vadd.f32 $9.999999960e-13, v38  }
0x14e: {  	v38 =	vmul.f32 v51, v9;
	v48 =	vadd.f32 v40, v48;
	v40 =	vsub.f32 v28, v37;
	v28 =	vmovc v47  }
0x14f: {  	v49 =	vadd.f32 v31, v49;
	v47 =	vshrl.u32 v50, $0x1;
	v46 =	vmul.f32 $-5.000000000e-01, v50  }
0x150: {  	_ = 	snop  }
0x151: {  	v42 =	vadd.f32 v42, v48;
	v57 =	vadd.f32 v34, v49;
	_ =	sdelay $0x1  }
0x152: {  	v42 =	vadd.f32 v45, v42;
	v58 =	vadd.f32 v32, v57;
	_ =	sdelay $0x1  }
0x153: {  	v41 =	vadd.f32 v41, v42;
	v59 =	vperm.xlane v58, v0;
	_ =	sdelay $0x1  }
0x154: {  	v60 =	vperm.xlane v41, v0;
	v42 =	vadd.f32 v58, v59;
	_ =	sdelay $0x1  }
0x155: {  	v41 =	vadd.f32 v60, v41;
	v45 =	vperm.xlane v42, v1;
	_ =	sdelay $0x1  }
0x156: {  	v48 =	vperm.xlane v41, v1;
	v42 =	vadd.f32 v42, v45;
	_ =	sdelay $0x1  }
0x157: {  	v41 =	vadd.f32 v48, v41;
	v45 =	vperm.xlane v42, v2;
	_ =	sdelay $0x1  }
0x158: {  	v48 =	vperm.xlane v41, v2;
	v42 =	vadd.f32 v42, v45;
	_ =	sdelay $0x1  }
0x159: {  	v47 =	vsub.s32 $0x5F3759DF, v47;
	v41 =	vadd.f32 v48, v41;
	v45 =	vperm.xlane v42, v3  }
0x15a: {  	v46 =	vmul.f32 v47, v46  }
0x15b: {  	v61 =	vperm.xlane v41, v3;
	v42 =	vadd.f32 v42, v45  }
0x15c: {  	v22 =	vsub.f32 v22, v37;
	v21 =	vsub.f32 v21, v37;
	v46 =	vmul.f32 v47, v46  }
0x15d: {  	v44 =	vadd.f32 v44, v13;
	v41 =	vadd.f32 v61, v41;
	v42 =	vmul.f32 $7.812500000e-03, v42  }
0x15e: {  	v35 =	vmul.f32 v35, v7;
	v20 =	vsub.f32 v20, v37;
	v62 =	vadd.f32 $1.500000000e+00, v46  }
0x15f: {  	v25 =	vsub.f32 v25, v37;
	v41 =	vmul.f32 $7.812500000e-03, v41;
	v63 =	vmul.f32 v42, v42  }
0x160: {  	v24 =	vsub.f32 v24, v37;
	v26 =	vmul.f32 v26, v29;
	v45 =	vmul.f32 v47, v62  }
0x161: {  	v43 =	vmul.f32 v43, v11;
	v23 =	vsub.f32 v23, v37;
	v41 =	vsub.f32 v41, v63  }
0x162: {  	v38 =	vadd.f32 v38, v17;
	v26 =	vmul.f32 v26, v10;
	v39 =	vmul.f32 v45, v39  }
0x163: {  	v40 =	vmul.f32 v45, v40;
	v22 =	vmul.f32 v45, v22;
	v41 =	vadd.f32 $9.999999960e-13, v41  }
0x164: {  	v35 =	vadd.f32 v35, v15;
	v21 =	vmul.f32 v45, v21;
	v20 =	vmul.f32 v45, v20  }
0x165: {  	v25 =	vmul.f32 v45, v25;
	v47 =	vshrl.u32 v41, $0x1;
	v48 =	vmul.f32 $-5.000000000e-01, v41  }
0x166: {  	v24 =	vmul.f32 v45, v24;
	v23 =	vmul.f32 v45, v23;
	v29 =	vsub.s32 $0x5F3759DF, v47  }
0x167: {  	v43 =	vadd.f32 v43, v19;
	v39 =	vmul.f32 v39, v8;
	v37 =	vmul.f32 v29, v48  }
0x168: {  	[tilespmem:s30+$0x8410] =	vst v44;
	v26 =	vadd.f32 v26, v18;
	v21 =	vmul.f32 v21, v6;
	v40 =	vmul.f32 v40, v4  }
0x169: {  	[tilespmem:s30+$0x8450] =	vst v38;
	v27 =	vsub.f32 v27, v42;
	v28 =	vsub.f32 v28, v42;
	v37 =	vmul.f32 v29, v37  }
0x16a: {  	[tilespmem:s30+$0x8430] =	vst v35;
	v22 =	vmul.f32 v22, v5;
	v36 =	vsub.f32 v36, v42;
	v33 =	vsub.f32 v33, v42  }
0x16b: {  	[tilespmem:s30+$0x8470] =	vst v43;
	v25 =	vmul.f32 v25, v9;
	v39 =	vadd.f32 v39, v16;
	v37 =	vadd.f32 $1.500000000e+00, v37  }
0x16c: {  	[tilespmem:s30+$0x8460] =	vst v26;
	v20 =	vmul.f32 v20, v7;
	v50 =	vsub.f32 v30, v42;
	v21 =	vadd.f32 v21, v14  }
0x16d: {  	v51 =	vsub.f32 v31, v42;
	v49 =	vadd.f32 v40, v12;
	[tilespmem:s7+$0x8440] =	vst v39;
	v29 =	vmul.f32 v29, v37  }
0x16e: {  	v24 =	vmul.f32 v24, v11;
	v52 =	vsub.f32 v32, v42;
	v22 =	vadd.f32 v22, v13;
	[tilespmem:s7+$0x8420] =	vst v21  }
0x16f: {  	v53 =	vsub.f32 v34, v42;
	v20 =	vadd.f32 v20, v15;
	[tilespmem:s7+$0x8400] =	vst v49;
	v27 =	vmul.f32 v29, v27  }
0x170: {  	v23 =	vmul.f32 v23, v10;
	v24 =	vadd.f32 v24, v19;
	[tilespmem:s7+$0x8410] =	vst v22;
	v54 =	vmul.f32 v29, v33  }
0x171: {  	v25 =	vadd.f32 v25, v17;
	[tilespmem:s7+$0x8430] =	vst v20;
	v20 =	vmul.f32 v29, v28;
	v27 =	vmul.f32 v27, v8  }
0x172: {  	v23 =	vadd.f32 v23, v18;
	[tilespmem:s7+$0x8470] =	vst v24;
	v55 =	vmul.f32 v29, v36;
	v56 =	vmul.f32 v54, v6  }
0x173: {  	[tilespmem:s7+$0x8450] =	vst v25;
	v26 =	vmul.f32 v29, v50;
	v20 =	vmul.f32 v20, v4;
	v27 =	vadd.f32 v27, v16  }
0x174: {  	[tilespmem:s7+$0x8460] =	vst v23;
	v58 =	vmul.f32 v29, v52;
	v24 =	vmul.f32 v55, v5;
	v57 =	vadd.f32 v56, v14  }
0x175: {  	v22 =	vmul.f32 v29, v53;
	v59 =	vmul.f32 v26, v7;
	v20 =	vadd.f32 v20, v12;
	[tilespmem:s3+$0x8440] =	vst v27  }
0x176: {  	v21 =	vmul.f32 v29, v51;
	v60 =	vmul.f32 v58, v11;
	v24 =	vadd.f32 v24, v13;
	[tilespmem:s3+$0x8420] =	vst v57  }
0x177: {  	s28 =	sadd.s32 $0x1, s28;
	v22 =	vmul.f32 v22, v10;
	v61 =	vadd.f32 v59, v15;
	[tilespmem:s3+$0x8400] =	vst v20  }
0x178: {  	p0 =	sne.s32 s28, $0x10;
	v62 =	vadd.f32 v60, v19;
	v20 =	vmul.f32 v21, v9;
	[tilespmem:s3+$0x8410] =	vst v24  }
.Ltmp2:
0x179: {  	s1 =	sadd.s32 s8, s29;
	v63 =	vadd.f32 v22, v18;
	[tilespmem:s3+$0x8430] =	vst v61;
	(pc) =	sbr.rel @p0 .LBB2_2-.Ltmp2, $4  }
0x17a: {  	s1 =	smul.u32 $0xC80, s1;
	[tilespmem:s3+$0x8470] =	vst v62;
	v20 =	vadd.f32 v20, v17  }
0x17b: {  	[tilespmem:s3+$0x8460] =	vst v63  }
0x17c: {  	s1 =	sadd.s32 s5, s1;
	[tilespmem:s3+$0x8450] =	vst v20  }
0x17d: {  	[hbm4b:s1+s6] =	stream.linear.scatter [tilespmem:s20], [sflag:$0x4], $0x6400, $0x38;
	[tilespmem:$0x14D00] =	vst v63  }
0x17e: {  	s26 =	sadd.s32 $0x1, s26  }
0x17f: {  	p0 =	sne.s32 s26, s10  }
.Ltmp3:
0x180: {  	_ = 	snop;
	(pc) =	sbr.rel @p0 .LBB2_1-.Ltmp3, $4  }
0x181: {  	_ = 	snop  }
0x182: {  	_ =	swait.ge [sflag:s25], $0x6400  }
0x183: {  	[sflag:s25] =	ssyncset.done $0x0  }
0x184: {  	[sflag:s25] =	ssyncadd.s32 $0xFFFF9C00  }
0x185: {  	_ =	sfence.sel $0x180000  }
0x186: {  	[bflag:$0x0] =	sbarrier.arrive $0xFFFF  }
0x187: {  	_ =	strace $0x90000047  }
0x188: {  	s0 =	stileid.u32;
	[bflag:$0x2] =	sbarrier.arrive $0xFFFF  }
0x189: {  	p0 =	sne.s32 s0, $0x0;
	s0 =	rddreg [dreg:$0x6]  }
0x18a: {  	s0 =	sadd.s32 @!p0 $0x100000, s0  }
0x18b: {  	[sflag:s0] =	ssyncadd.tile.s32 @!p0 $0x1;
	_ =	shalt  }
.Lfunc_end2:
_tile_overlayer_lowered:
.L_overlay_start_2:
0x18c: {  	(tag) =	ssettag $0x2  }
0x18d: {  	s0 =	rddreg [dreg:$0x0];
	s2 =	stileid.u32  }
0x18e: {  	s1 =	rddreg [dreg:$0x1];
	p0 =	sne.s32 s2, $0x0  }
0x18f: {  	s3 =	rddreg [dreg:$0x2];
	[bflag:$0x3] =	sbarrier.arrive $0xFFFF;
	s2 =	simm.s32 @!p0 $0x1C05  }
0x190: {  	[timem:s3], [sflag:s2] =	dma.local @!p0 [hbm:s0], s1  }
0x191: {  	s0 =	simm.s32 @!p0 $0x5  }
0x192: {  	_ =	swait.ge @!p0 [sflag:s0], s1  }
0x193: {  	s1 =	ssub.s32 @!p0 $0x0, s1;
	[sflag:s0] =	ssyncset.done @!p0 $0x0  }
0x194: {  	[sflag:s0] =	ssyncadd.s32 @!p0 s1  }
0x195: {  	[bflag:$0x3] =	sbarrier.arrive $0xFFFF  }
0x196: {  	_ =	shalt  }

</sc_bundles>
